<compile_context>
chip_gen: v7x
topology: tpu7x:2x2x1
jax: 0.10.2.dev20260603
libtpu: 0.0.44.dev20260713+nightly
codegen_flags: <defaults>
</compile_context>

<pallas_src>
import functools

import jax
import jax.numpy as jnp
from jax import lax
from jax.experimental import pallas as pl
from jax.experimental.pallas import tpu as pltpu
from jax.experimental.pallas import tpu_sc as plsc

_N = 10000
_E = 320000
_D = 128
_T = 4
_VTH = 1.0

_NC = 2
_NS = 16
_NW = _NC * _NS
_CHUNK = 128

_NP = 10240
_RPT = _NP // _NS
_NP8 = _NP * 8
_DPT = _NP8 // _NS

_NCHD = 80
_EPADD = _NW * _NCHD * _CHUNK

_MCHUNK = 128
_NB = 2
_LA = _NB // 2
_NCHM = 80
_SEG = 40
_NSEG = _NCHM // _SEG
_EPADM = _NW * _NCHM * _MCHUNK


def _sc_mesh():
    return plsc.VectorSubcoreMesh(
        core_axis_name="c", subcore_axis_name="s",
        num_cores=_NC, num_subcores=_NS)


def _deg_body(dst8_hbm, zdeg_hbm, ones_hbm, out_hbm, idx_v, ones_v, deg_sh):
    c = lax.axis_index("c")
    s = lax.axis_index("s")
    w = c * _NS + s
    r0 = s * _DPT
    pltpu.sync_copy(zdeg_hbm.at[pl.ds(r0, _DPT)], deg_sh.at[pl.ds(r0, _DPT)])
    pltpu.sync_copy(ones_hbm, ones_v)
    pltpu.sync_copy(dst8_hbm.at[w], idx_v)
    plsc.subcore_barrier()

    def body(j, carry):
        pltpu.sync_copy(ones_v, deg_sh.at[idx_v.at[j]], add=True)
        return carry

    lax.fori_loop(0, _NCHD, body, 0)
    plsc.subcore_barrier()
    pltpu.sync_copy(deg_sh.at[pl.ds(r0, _DPT)], out_hbm.at[c, pl.ds(r0, _DPT)])


def _deg_call(dst8_3d, zdeg, ones):
    k = functools.partial(
        pl.kernel, _deg_body, mesh=_sc_mesh(),
        out_type=jax.ShapeDtypeStruct((_NC, _NP8), jnp.float32),
        scratch_types=[
            pltpu.VMEM((_NCHD, _CHUNK), jnp.int32),
            pltpu.VMEM((_CHUNK,), jnp.float32),
            pltpu.VMEM_SHARED((_NP8,), jnp.float32),
        ],
    )()
    return k(dst8_3d, zdeg, ones)


def _msg_body(g_hbm, src_hbm, dst_hbm, zacc_hbm, out_hbm,
              src_v, dst_v, acc_sh, *bufs):
    c = lax.axis_index("c")
    s = lax.axis_index("s")
    w = c * _NS + s
    r0 = s * _RPT

    @pl.when(c == 0)
    def _():
        pltpu.sync_copy(g_hbm.at[pl.ds(r0, _RPT)], acc_sh.at[pl.ds(r0, _RPT)])

    @pl.when(c != 0)
    def _():
        pltpu.sync_copy(zacc_hbm.at[pl.ds(r0, _RPT)],
                        acc_sh.at[pl.ds(r0, _RPT)])

    plsc.subcore_barrier()

    rows = bufs[:_NB]
    gsems = bufs[_NB:2 * _NB]
    ssems = bufs[2 * _NB:]

    def g_start(l, b):
        pltpu.async_copy(g_hbm.at[src_v.at[l]], rows[b], gsems[b])

    def g_wait(l, b):
        pltpu.make_async_copy(g_hbm.at[src_v.at[l]], rows[b], gsems[b]).wait()

    def s_start(l, b):
        pltpu.async_copy(rows[b], acc_sh.at[dst_v.at[l]], ssems[b], add=True)

    def s_wait(l, b):
        pltpu.make_async_copy(
            rows[b], acc_sh.at[dst_v.at[l]], ssems[b]).wait()

    def seg_body(seg, carry):
        pltpu.sync_copy(src_hbm.at[w, pl.ds(seg * _SEG, _SEG)], src_v)
        pltpu.sync_copy(dst_hbm.at[w, pl.ds(seg * _SEG, _SEG)], dst_v)
        for b in range(_LA):
            g_start(b, b)

        def group(gi, c2):
            l0 = gi * _NB
            for b in range(_NB):
                l = l0 + b
                bn = (b + _LA) % _NB

                @pl.when(l - _LA >= 0)
                def _():
                    s_wait(l - _LA, bn)

                @pl.when(l + _LA < _SEG)
                def _():
                    g_start(l + _LA, bn)

                g_wait(l, b)
                s_start(l, b)
            return c2

        lax.fori_loop(0, _SEG // _NB, group, 0)
        for k in range(_SEG - _LA, _SEG):
            s_wait(k, k % _NB)
        return carry

    lax.fori_loop(0, _NSEG, seg_body, 0)
    plsc.subcore_barrier()
    pltpu.sync_copy(acc_sh.at[pl.ds(r0, _RPT)],
                    out_hbm.at[c, pl.ds(r0, _RPT)])


def _msg_call(g, src_3d, dst_3d, zacc):
    k = functools.partial(
        pl.kernel, _msg_body, mesh=_sc_mesh(),
        compiler_params=pltpu.CompilerParams(use_tc_tiling_on_sc=False),
        out_type=jax.ShapeDtypeStruct((_NC, _NP, _D), jnp.float32),
        scratch_types=[
            pltpu.VMEM((_SEG, _MCHUNK), jnp.int32),
            pltpu.VMEM((_SEG, _MCHUNK), jnp.int32),
            pltpu.VMEM_SHARED((_NP, _D), jnp.float32),
        ] + [pltpu.VMEM((_MCHUNK, _D), jnp.float32)] * _NB
          + [pltpu.SemaphoreType.DMA] * (2 * _NB),
    )()
    return k(g, src_3d, dst_3d, zacc)


def _mm_body(x_ref, deg_ref, w_ref, g_ref):
    d = deg_ref[...]
    deg = d[0] + d[1] + 1.0
    dinv = lax.rsqrt(jnp.maximum(deg[:, 0:1], 1e-12))
    h = jnp.dot(x_ref[...], w_ref[...], preferred_element_type=jnp.float32)
    g_ref[...] = h * dinv


def _mm_call(x_p, deg_t, W):
    RB = 1024
    return pl.pallas_call(
        _mm_body,
        grid=(_NP // RB,),
        in_specs=[
            pl.BlockSpec((RB, _D), lambda i: (i, 0)),
            pl.BlockSpec((_NC, RB, 8), lambda i: (0, i, 0)),
            pl.BlockSpec((_D, _D), lambda i: (0, 0)),
        ],
        out_specs=pl.BlockSpec((RB, _D), lambda i: (i, 0)),
        out_shape=jax.ShapeDtypeStruct((_NP, _D), jnp.float32),
    )(x_p, deg_t, W)


def _fire_body(sp_ref, deg_ref, b_ref, o_ref, z_ref):
    d = deg_ref[...]
    deg = d[0] + d[1] + 1.0
    dinv = lax.rsqrt(jnp.maximum(deg[:, 0:1], 1e-12))
    s = sp_ref[0] + sp_ref[1]
    out = s * dinv + b_ref[...]
    z = jnp.zeros_like(out)
    for t in range(_T):
        z = z + out
        o = (z >= _VTH).astype(jnp.float32)
        z = z * (1.0 - o)
        o_ref[t] = o
        z_ref[t] = z


def _fire_call(sp, deg_t, b2d):
    RB = 1000
    return pl.pallas_call(
        _fire_body,
        grid=(_N // RB,),
        in_specs=[
            pl.BlockSpec((_NC, RB, _D), lambda i: (0, i, 0)),
            pl.BlockSpec((_NC, RB, 8), lambda i: (0, i, 0)),
            pl.BlockSpec((1, _D), lambda i: (0, 0)),
        ],
        out_specs=[
            pl.BlockSpec((_T, RB, _D), lambda i: (0, i, 0)),
            pl.BlockSpec((_T, RB, _D), lambda i: (0, i, 0)),
        ],
        out_shape=[
            jax.ShapeDtypeStruct((_T, _N, _D), jnp.float32),
            jax.ShapeDtypeStruct((_T, _N, _D), jnp.float32),
        ],
    )(sp, deg_t, b2d)


def kernel(x, edge_index, W, b):
    src = edge_index[0]
    dst = edge_index[1]

    src_pm = jnp.concatenate([src, jnp.zeros((_EPADM - _E,), jnp.int32)])
    src_3d = src_pm.reshape(_NW, _NCHM, _MCHUNK)
    dst_pm = jnp.concatenate(
        [dst, jnp.full((_EPADM - _E,), _NP - 1, jnp.int32)])
    dst_3d = dst_pm.reshape(_NW, _NCHM, _MCHUNK)
    dst8_3d = dst_pm.reshape(_NW, _NCHD, _CHUNK) * 8

    x_p = jnp.pad(x, ((0, _NP - _N), (0, 0)))
    zdeg = jnp.zeros((_NP8,), jnp.float32)
    zacc = jnp.zeros((_NP, _D), jnp.float32)
    ones = jnp.ones((_CHUNK,), jnp.float32)
    b2d = b.reshape(1, _D)

    deg_flat = _deg_call(dst8_3d, zdeg, ones)
    deg_t = deg_flat.reshape(_NC, _NP, 8)
    g = _mm_call(x_p, deg_t, W)
    sp = _msg_call(g, src_3d, dst_3d, zacc)
    o_seq, z_seq = _fire_call(sp, deg_t, b2d)
    return (o_seq, z_seq)

# --- scband reference (transcript-rebuilt; emitter-appended) ---
"""Pipeline reference for scband-rsencoder-layer-26654567039543 (READ-ONLY COPY).

The authoritative reference and input builder live on the scoring server;
editing this copy changes nothing except your own understanding.
"""

import jax, jax.numpy as jnp
import numpy as np

N = 10000
E = 320000
IN_DIM = 128
OUT_DIM = 128
T = 4
V_TH = 1.0


def setup_inputs(seed: int = 0) -> dict:
    key = jax.random.key(seed)
    k1, k2, k3 = jax.random.split(key, 3)
    x = jax.random.normal(k1, (N, IN_DIM), dtype=jnp.float32)
    edge_index = jax.random.randint(k2, (2, E), 0, N, dtype=jnp.int32)
    W = jax.random.normal(k3, (IN_DIM, OUT_DIM), dtype=jnp.float32) * (1.0 / np.sqrt(IN_DIM))
    b = jnp.zeros((OUT_DIM,), dtype=jnp.float32)
    return {"x": x, "edge_index": edge_index, "W": W, "b": b}


def gcn_conv(x, edge_index, W, b):
    # GCNConv with self-loops and symmetric normalization D^{-1/2} A D^{-1/2}
    n = x.shape[0]
    src = edge_index[0]
    dst = edge_index[1]
    loops = jnp.arange(n, dtype=src.dtype)
    src = jnp.concatenate([src, loops])
    dst = jnp.concatenate([dst, loops])
    deg = jnp.zeros((n,), x.dtype).at[dst].add(1.0)
    dinv = jax.lax.rsqrt(jnp.maximum(deg, 1e-12))
    h = x @ W
    norm = (dinv[src] * dinv[dst])[:, None]
    msg = jnp.take(h, src, axis=0) * norm
    out = jnp.zeros((n, h.shape[1]), x.dtype).at[dst].add(msg)
    return out + b


def reference(x, edge_index, W, b):
    # fc + dropout(p=0.0 -> identity)
    h = gcn_conv(x, edge_index, W, b)
    # manifold.origin -> zeros for Euclidean manifold
    z0 = jnp.zeros_like(h)
    # x_seq = x.unsqueeze(0).repeat(T, 1, 1)
    x_seq = jnp.broadcast_to(h[None], (T,) + h.shape)
    # RiemannianIFNode: integrate (expmap charge = add for Euclidean),
    # fire when membrane state crosses v_threshold, hard reset to origin.
    def step(z, xt):
        z = z + xt
        o = (z >= V_TH).astype(z.dtype)
        z = z * (1.0 - o)
        return z, (o, z)
    _, (o_seq, z_seq) = jax.lax.scan(step, z0, x_seq)
    return (o_seq, z_seq)

if __name__ == "__main__":
    import jax
    _d = setup_inputs()
    print(jax.jit(kernel)(*tuple(_d.values())))

</pallas_src>

<mosaic_0001>
#map = affine_map<(d0, d1) -> (0, 0)>
#map1 = affine_map<(d0, d1) -> (0, 0, 0)>
module attributes {stable_mosaic.version = 14 : i64} {
  func.func @_msg_body(%arg0: i32, %arg1: i32, %arg2: memref<10240x128xf32, #tpu.memory_space<hbm>>, %arg3: memref<32x80x128xi32, #tpu.memory_space<hbm>>, %arg4: memref<32x80x128xi32, #tpu.memory_space<hbm>>, %arg5: memref<10240x128xf32, #tpu.memory_space<hbm>>, %arg6: memref<2x10240x128xf32, #tpu.memory_space<hbm>>, %arg7: memref<40x128xi32, #tpu.memory_space<vmem>>, %arg8: memref<40x128xi32, #tpu.memory_space<vmem>>, %arg9: memref<10240x128xf32, #tpu.memory_space<vmem_shared>>, %arg10: memref<128x128xf32, #tpu.memory_space<vmem>>, %arg11: memref<128x128xf32, #tpu.memory_space<vmem>>, %arg12: memref<!tpu.dma_semaphore, #tpu.memory_space<semaphore_mem>>, %arg13: memref<!tpu.dma_semaphore, #tpu.memory_space<semaphore_mem>>, %arg14: memref<!tpu.dma_semaphore, #tpu.memory_space<semaphore_mem>>, %arg15: memref<!tpu.dma_semaphore, #tpu.memory_space<semaphore_mem>>) attributes {dimension_semantics = [#tpu.dimension_semantics<core_parallel>, #tpu.dimension_semantics<subcore_parallel>], iteration_bounds = array<i64: 2, 16>, scalar_prefetch = 0 : i64, scratch_operands = 9 : i64, tpu.core_type = #tpu.core_type<sc_vector_subcore>, window_params = [{transform_indices = #map}, {transform_indices = #map1}, {transform_indices = #map1}, {transform_indices = #map}, {transform_indices = #map1}]} {
    %mul3A = arith.constant 16 : i32
    %mul3A_0 = arith.muli %arg0, %mul3A : i32
    %add3A = arith.addi %mul3A_0, %arg1 : i32
    %mul3A_1 = arith.constant 640 : i32
    %mul3A_2 = arith.muli %arg1, %mul3A_1 : i32
    %eq3A = arith.constant 0 : i32
    %eq3A_3 = arith.cmpi eq, %arg0, %eq3A : i32
    %convert_element_type3A = arith.extui %eq3A_3 : i1 to i32
    %cond3A = arith.constant 0 : i32
    %cond3A_4 = arith.cmpi ne, %convert_element_type3A, %cond3A : i32
    scf.if %cond3A_4 {
      "tpu.region"() ({
        %run_scoped3A = tpu.sem_alloc : memref<!tpu.dma_semaphore, #tpu.memory_space<semaphore_mem>>
        %dma_start3A = arith.constant 0 : i32
        %dma_start3A_15 = tpu.memref_slice %arg9[%mul3A_2, %dma_start3A] : memref<10240x128xf32, #tpu.memory_space<vmem_shared>> -> memref<640x128xf32, #tpu.memory_space<vmem_shared>>
        %dma_start3A_16 = arith.constant 0 : i32
        %dma_start3A_17 = tpu.memref_slice %arg2[%mul3A_2, %dma_start3A_16] : memref<10240x128xf32, #tpu.memory_space<hbm>> -> memref<640x128xf32, #tpu.memory_space<hbm>>
        tpu.enqueue_dma source(%dma_start3A_17 : memref<640x128xf32, #tpu.memory_space<hbm>>) target(%dma_start3A_15 : memref<640x128xf32, #tpu.memory_space<vmem_shared>>) target_semaphore(%run_scoped3A : memref<!tpu.dma_semaphore, #tpu.memory_space<semaphore_mem>>)
        %dma_wait3A = arith.constant 0 : i32
        %dma_wait3A_18 = tpu.memref_slice %arg9[%mul3A_2, %dma_wait3A] : memref<10240x128xf32, #tpu.memory_space<vmem_shared>> -> memref<640x128xf32, #tpu.memory_space<vmem_shared>>
        %dma_wait3A_19 = arith.constant 0 : i32
        %dma_wait3A_20 = tpu.memref_slice %arg2[%mul3A_2, %dma_wait3A_19] : memref<10240x128xf32, #tpu.memory_space<hbm>> -> memref<640x128xf32, #tpu.memory_space<hbm>>
        tpu.wait_dma2 semaphore(%run_scoped3A : memref<!tpu.dma_semaphore, #tpu.memory_space<semaphore_mem>>) src(%dma_wait3A_20 : memref<640x128xf32, #tpu.memory_space<hbm>>) dst(%dma_wait3A_18 : memref<640x128xf32, #tpu.memory_space<vmem_shared>>)
        tpu.yield
      }) : () -> ()
    } else {
    }
    %ne3A = arith.constant 0 : i32
    %ne3A_5 = arith.cmpi ne, %arg0, %ne3A : i32
    %convert_element_type3A_6 = arith.extui %ne3A_5 : i1 to i32
    %cond3A_7 = arith.constant 0 : i32
    %cond3A_8 = arith.cmpi ne, %convert_element_type3A_6, %cond3A_7 : i32
    scf.if %cond3A_8 {
      "tpu.region"() ({
        %run_scoped3A = tpu.sem_alloc : memref<!tpu.dma_semaphore, #tpu.memory_space<semaphore_mem>>
        %dma_start3A = arith.constant 0 : i32
        %dma_start3A_15 = tpu.memref_slice %arg9[%mul3A_2, %dma_start3A] : memref<10240x128xf32, #tpu.memory_space<vmem_shared>> -> memref<640x128xf32, #tpu.memory_space<vmem_shared>>
        %dma_start3A_16 = arith.constant 0 : i32
        %dma_start3A_17 = tpu.memref_slice %arg5[%mul3A_2, %dma_start3A_16] : memref<10240x128xf32, #tpu.memory_space<hbm>> -> memref<640x128xf32, #tpu.memory_space<hbm>>
        tpu.enqueue_dma source(%dma_start3A_17 : memref<640x128xf32, #tpu.memory_space<hbm>>) target(%dma_start3A_15 : memref<640x128xf32, #tpu.memory_space<vmem_shared>>) target_semaphore(%run_scoped3A : memref<!tpu.dma_semaphore, #tpu.memory_space<semaphore_mem>>)
        %dma_wait3A = arith.constant 0 : i32
        %dma_wait3A_18 = tpu.memref_slice %arg9[%mul3A_2, %dma_wait3A] : memref<10240x128xf32, #tpu.memory_space<vmem_shared>> -> memref<640x128xf32, #tpu.memory_space<vmem_shared>>
        %dma_wait3A_19 = arith.constant 0 : i32
        %dma_wait3A_20 = tpu.memref_slice %arg5[%mul3A_2, %dma_wait3A_19] : memref<10240x128xf32, #tpu.memory_space<hbm>> -> memref<640x128xf32, #tpu.memory_space<hbm>>
        tpu.wait_dma2 semaphore(%run_scoped3A : memref<!tpu.dma_semaphore, #tpu.memory_space<semaphore_mem>>) src(%dma_wait3A_20 : memref<640x128xf32, #tpu.memory_space<hbm>>) dst(%dma_wait3A_18 : memref<640x128xf32, #tpu.memory_space<vmem_shared>>)
        tpu.yield
      }) : () -> ()
    } else {
    }
    %barrier3A = arith.constant 0 : index
    tpu.barrier barrier_id(%barrier3A)
    %scan3A = arith.constant 0 : i32
    %scan3A_9 = arith.constant 0 : i32
    %scan3A_10 = arith.constant 2 : i32
    %scan3A_11 = arith.addi %scan3A_9, %scan3A_10 : i32
    %scan3A_12 = arith.constant 1 : i32
    scf.for %scan3A_15 = %scan3A_9 to %scan3A_11 step %scan3A_12  : i32 {
      %mul3A_16 = arith.constant 40 : i32
      %mul3A_17 = arith.muli %scan3A_15, %mul3A_16 : i32
      "tpu.region"() ({
        %run_scoped3A = tpu.sem_alloc : memref<!tpu.dma_semaphore, #tpu.memory_space<semaphore_mem>>
        %dma_start3A_38 = arith.constant 0 : i32
        %dma_start3A_39 = tpu.memref_slice %arg3[%add3A, %mul3A_17, %dma_start3A_38] : memref<32x80x128xi32, #tpu.memory_space<hbm>> -> memref<1x40x128xi32, #tpu.memory_space<hbm>>
        %dma_start3A_40 = tpu.memref_squeeze %dma_start3A_39 : memref<1x40x128xi32, #tpu.memory_space<hbm>> -> memref<40x128xi32, #tpu.memory_space<hbm>>
        %dma_start3A_41 = arith.constant 0 : i32
        %dma_start3A_42 = tpu.memref_slice %arg3[%add3A, %mul3A_17, %dma_start3A_41] : memref<32x80x128xi32, #tpu.memory_space<hbm>> -> memref<1x40x128xi32, #tpu.memory_space<hbm>>
        %dma_start3A_43 = tpu.memref_squeeze %dma_start3A_42 : memref<1x40x128xi32, #tpu.memory_space<hbm>> -> memref<40x128xi32, #tpu.memory_space<hbm>>
        tpu.enqueue_dma source(%dma_start3A_43 : memref<40x128xi32, #tpu.memory_space<hbm>>) target(%arg7 : memref<40x128xi32, #tpu.memory_space<vmem>>) target_semaphore(%run_scoped3A : memref<!tpu.dma_semaphore, #tpu.memory_space<semaphore_mem>>)
        %dma_wait3A_44 = arith.constant 0 : i32
        %dma_wait3A_45 = tpu.memref_slice %arg3[%add3A, %mul3A_17, %dma_wait3A_44] : memref<32x80x128xi32, #tpu.memory_space<hbm>> -> memref<1x40x128xi32, #tpu.memory_space<hbm>>
        %dma_wait3A_46 = tpu.memref_squeeze %dma_wait3A_45 : memref<1x40x128xi32, #tpu.memory_space<hbm>> -> memref<40x128xi32, #tpu.memory_space<hbm>>
        %dma_wait3A_47 = arith.constant 0 : i32
        %dma_wait3A_48 = tpu.memref_slice %arg3[%add3A, %mul3A_17, %dma_wait3A_47] : memref<32x80x128xi32, #tpu.memory_space<hbm>> -> memref<1x40x128xi32, #tpu.memory_space<hbm>>
        %dma_wait3A_49 = tpu.memref_squeeze %dma_wait3A_48 : memref<1x40x128xi32, #tpu.memory_space<hbm>> -> memref<40x128xi32, #tpu.memory_space<hbm>>
        tpu.wait_dma2 semaphore(%run_scoped3A : memref<!tpu.dma_semaphore, #tpu.memory_space<semaphore_mem>>) src(%dma_wait3A_49 : memref<40x128xi32, #tpu.memory_space<hbm>>) dst(%arg7 : memref<40x128xi32, #tpu.memory_space<vmem>>)
        tpu.yield
      }) : () -> ()
      %mul3A_18 = arith.constant 40 : i32
      %mul3A_19 = arith.muli %scan3A_15, %mul3A_18 : i32
      "tpu.region"() ({
        %run_scoped3A = tpu.sem_alloc : memref<!tpu.dma_semaphore, #tpu.memory_space<semaphore_mem>>
        %dma_start3A_38 = arith.constant 0 : i32
        %dma_start3A_39 = tpu.memref_slice %arg4[%add3A, %mul3A_19, %dma_start3A_38] : memref<32x80x128xi32, #tpu.memory_space<hbm>> -> memref<1x40x128xi32, #tpu.memory_space<hbm>>
        %dma_start3A_40 = tpu.memref_squeeze %dma_start3A_39 : memref<1x40x128xi32, #tpu.memory_space<hbm>> -> memref<40x128xi32, #tpu.memory_space<hbm>>
        %dma_start3A_41 = arith.constant 0 : i32
        %dma_start3A_42 = tpu.memref_slice %arg4[%add3A, %mul3A_19, %dma_start3A_41] : memref<32x80x128xi32, #tpu.memory_space<hbm>> -> memref<1x40x128xi32, #tpu.memory_space<hbm>>
        %dma_start3A_43 = tpu.memref_squeeze %dma_start3A_42 : memref<1x40x128xi32, #tpu.memory_space<hbm>> -> memref<40x128xi32, #tpu.memory_space<hbm>>
        tpu.enqueue_dma source(%dma_start3A_43 : memref<40x128xi32, #tpu.memory_space<hbm>>) target(%arg8 : memref<40x128xi32, #tpu.memory_space<vmem>>) target_semaphore(%run_scoped3A : memref<!tpu.dma_semaphore, #tpu.memory_space<semaphore_mem>>)
        %dma_wait3A_44 = arith.constant 0 : i32
        %dma_wait3A_45 = tpu.memref_slice %arg4[%add3A, %mul3A_19, %dma_wait3A_44] : memref<32x80x128xi32, #tpu.memory_space<hbm>> -> memref<1x40x128xi32, #tpu.memory_space<hbm>>
        %dma_wait3A_46 = tpu.memref_squeeze %dma_wait3A_45 : memref<1x40x128xi32, #tpu.memory_space<hbm>> -> memref<40x128xi32, #tpu.memory_space<hbm>>
        %dma_wait3A_47 = arith.constant 0 : i32
        %dma_wait3A_48 = tpu.memref_slice %arg4[%add3A, %mul3A_19, %dma_wait3A_47] : memref<32x80x128xi32, #tpu.memory_space<hbm>> -> memref<1x40x128xi32, #tpu.memory_space<hbm>>
        %dma_wait3A_49 = tpu.memref_squeeze %dma_wait3A_48 : memref<1x40x128xi32, #tpu.memory_space<hbm>> -> memref<40x128xi32, #tpu.memory_space<hbm>>
        tpu.wait_dma2 semaphore(%run_scoped3A : memref<!tpu.dma_semaphore, #tpu.memory_space<semaphore_mem>>) src(%dma_wait3A_49 : memref<40x128xi32, #tpu.memory_space<hbm>>) dst(%arg8 : memref<40x128xi32, #tpu.memory_space<vmem>>)
        tpu.yield
      }) : () -> ()
      %dma_start3A = arith.constant 0 : i32
      %dma_start3A_20 = arith.constant 0 : i32
      %dma_start3A_21 = tpu.memref_slice %arg7[%dma_start3A, %dma_start3A_20] : memref<40x128xi32, #tpu.memory_space<vmem>> -> memref<1x128xi32, #tpu.memory_space<vmem>>
      %dma_start3A_22 = tpu.memref_squeeze %dma_start3A_21 : memref<1x128xi32, #tpu.memory_space<vmem>> -> memref<128xi32, #tpu.memory_space<vmem>>
      %dma_start3A_23 = arith.constant 0 : i32
      %dma_start3A_24 = arith.constant 0 : i32
      %dma_start3A_25 = tpu.memref_slice %arg2[%dma_start3A_23, %dma_start3A_24] : memref<10240x128xf32, #tpu.memory_space<hbm>> -> memref<10240x128xf32, #tpu.memory_space<hbm>>
      tpu.enqueue_indirect_dma source(%dma_start3A_25 : memref<10240x128xf32, #tpu.memory_space<hbm>>) target(%arg10 : memref<128x128xf32, #tpu.memory_space<vmem>>) offsets(%dma_start3A_22 : memref<128xi32, #tpu.memory_space<vmem>>) semaphore(%arg12 : memref<!tpu.dma_semaphore, #tpu.memory_space<semaphore_mem>>)
      %scan3A_26 = arith.constant 0 : i32
      %scan3A_27 = arith.constant 0 : i32
      %scan3A_28 = arith.constant 20 : i32
      %scan3A_29 = arith.addi %scan3A_27, %scan3A_28 : i32
      %scan3A_30 = arith.constant 1 : i32
      scf.for %scan3A_38 = %scan3A_27 to %scan3A_29 step %scan3A_30  : i32 {
        %mul3A_39 = arith.constant 2 : i32
        %mul3A_40 = arith.muli %scan3A_38, %mul3A_39 : i32
        %add3A_41 = arith.constant 0 : i32
        %add3A_42 = arith.addi %mul3A_40, %add3A_41 : i32
        %sub3A = arith.constant 1 : i32
        %sub3A_43 = arith.subi %add3A_42, %sub3A : i32
        %ge3A = arith.constant 0 : i32
        %ge3A_44 = arith.cmpi sge, %sub3A_43, %ge3A : i32
        %convert_element_type3A_45 = arith.extui %ge3A_44 : i1 to i32
        %cond3A_46 = arith.constant 0 : i32
        %cond3A_47 = arith.cmpi ne, %convert_element_type3A_45, %cond3A_46 : i32
        scf.if %cond3A_47 {
          %sub3A_94 = arith.constant 1 : i32
          %sub3A_95 = arith.subi %add3A_42, %sub3A_94 : i32
          %dma_wait3A_96 = arith.constant 0 : i32
          %dma_wait3A_97 = tpu.memref_slice %arg8[%sub3A_95, %dma_wait3A_96] : memref<40x128xi32, #tpu.memory_space<vmem>> -> memref<1x128xi32, #tpu.memory_space<vmem>>
          %dma_wait3A_98 = tpu.memref_squeeze %dma_wait3A_97 : memref<1x128xi32, #tpu.memory_space<vmem>> -> memref<128xi32, #tpu.memory_space<vmem>>
          %dma_wait3A_99 = arith.constant 0 : i32
          %dma_wait3A_100 = arith.constant 0 : i32
          %dma_wait3A_101 = tpu.memref_slice %arg9[%dma_wait3A_99, %dma_wait3A_100] : memref<10240x128xf32, #tpu.memory_space<vmem_shared>> -> memref<10240x128xf32, #tpu.memory_space<vmem_shared>>
          tpu.wait_indirect_dma semaphore(%arg15 : memref<!tpu.dma_semaphore, #tpu.memory_space<semaphore_mem>>) src(%arg11 : memref<128x128xf32, #tpu.memory_space<vmem>>) dst(%dma_wait3A_101 : memref<10240x128xf32, #tpu.memory_space<vmem_shared>>)
        } else {
        }
        %add3A_48 = arith.constant 1 : i32
        %add3A_49 = arith.addi %add3A_42, %add3A_48 : i32
        %lt3A = arith.constant 40 : i32
        %lt3A_50 = arith.cmpi slt, %add3A_49, %lt3A : i32
        %convert_element_type3A_51 = arith.extui %lt3A_50 : i1 to i32
        %cond3A_52 = arith.constant 0 : i32
        %cond3A_53 = arith.cmpi ne, %convert_element_type3A_51, %cond3A_52 : i32
        scf.if %cond3A_53 {
          %add3A_94 = arith.constant 1 : i32
          %add3A_95 = arith.addi %add3A_42, %add3A_94 : i32
          %dma_start3A_96 = arith.constant 0 : i32
          %dma_start3A_97 = tpu.memref_slice %arg7[%add3A_95, %dma_start3A_96] : memref<40x128xi32, #tpu.memory_space<vmem>> -> memref<1x128xi32, #tpu.memory_space<vmem>>
          %dma_start3A_98 = tpu.memref_squeeze %dma_start3A_97 : memref<1x128xi32, #tpu.memory_space<vmem>> -> memref<128xi32, #tpu.memory_space<vmem>>
          %dma_start3A_99 = arith.constant 0 : i32
          %dma_start3A_100 = arith.constant 0 : i32
          %dma_start3A_101 = tpu.memref_slice %arg2[%dma_start3A_99, %dma_start3A_100] : memref<10240x128xf32, #tpu.memory_space<hbm>> -> memref<10240x128xf32, #tpu.memory_space<hbm>>
          tpu.enqueue_indirect_dma source(%dma_start3A_101 : memref<10240x128xf32, #tpu.memory_space<hbm>>) target(%arg11 : memref<128x128xf32, #tpu.memory_space<vmem>>) offsets(%dma_start3A_98 : memref<128xi32, #tpu.memory_space<vmem>>) semaphore(%arg13 : memref<!tpu.dma_semaphore, #tpu.memory_space<semaphore_mem>>)
        } else {
        }
        %dma_wait3A_54 = arith.constant 0 : i32
        %dma_wait3A_55 = tpu.memref_slice %arg7[%add3A_42, %dma_wait3A_54] : memref<40x128xi32, #tpu.memory_space<vmem>> -> memref<1x128xi32, #tpu.memory_space<vmem>>
        %dma_wait3A_56 = tpu.memref_squeeze %dma_wait3A_55 : memref<1x128xi32, #tpu.memory_space<vmem>> -> memref<128xi32, #tpu.memory_space<vmem>>
        %dma_wait3A_57 = arith.constant 0 : i32
        %dma_wait3A_58 = arith.constant 0 : i32
        %dma_wait3A_59 = tpu.memref_slice %arg2[%dma_wait3A_57, %dma_wait3A_58] : memref<10240x128xf32, #tpu.memory_space<hbm>> -> memref<10240x128xf32, #tpu.memory_space<hbm>>
        tpu.wait_indirect_dma semaphore(%arg12 : memref<!tpu.dma_semaphore, #tpu.memory_space<semaphore_mem>>) src(%dma_wait3A_59 : memref<10240x128xf32, #tpu.memory_space<hbm>>) dst(%arg10 : memref<128x128xf32, #tpu.memory_space<vmem>>)
        %dma_start3A_60 = arith.constant 0 : i32
        %dma_start3A_61 = tpu.memref_slice %arg8[%add3A_42, %dma_start3A_60] : memref<40x128xi32, #tpu.memory_space<vmem>> -> memref<1x128xi32, #tpu.memory_space<vmem>>
        %dma_start3A_62 = tpu.memref_squeeze %dma_start3A_61 : memref<1x128xi32, #tpu.memory_space<vmem>> -> memref<128xi32, #tpu.memory_space<vmem>>
        %dma_start3A_63 = arith.constant 0 : i32
        %dma_start3A_64 = arith.constant 0 : i32
        %dma_start3A_65 = tpu.memref_slice %arg9[%dma_start3A_63, %dma_start3A_64] : memref<10240x128xf32, #tpu.memory_space<vmem_shared>> -> memref<10240x128xf32, #tpu.memory_space<vmem_shared>>
        tpu.enqueue_indirect_dma source(%arg10 : memref<128x128xf32, #tpu.memory_space<vmem>>) target(%dma_start3A_65 : memref<10240x128xf32, #tpu.memory_space<vmem_shared>>) offsets(%dma_start3A_62 : memref<128xi32, #tpu.memory_space<vmem>>) semaphore(%arg14 : memref<!tpu.dma_semaphore, #tpu.memory_space<semaphore_mem>>) {add = true}
        %add3A_66 = arith.constant 1 : i32
        %add3A_67 = arith.addi %mul3A_40, %add3A_66 : i32
        %sub3A_68 = arith.constant 1 : i32
        %sub3A_69 = arith.subi %add3A_67, %sub3A_68 : i32
        %ge3A_70 = arith.constant 0 : i32
        %ge3A_71 = arith.cmpi sge, %sub3A_69, %ge3A_70 : i32
        %convert_element_type3A_72 = arith.extui %ge3A_71 : i1 to i32
        %cond3A_73 = arith.constant 0 : i32
        %cond3A_74 = arith.cmpi ne, %convert_element_type3A_72, %cond3A_73 : i32
        scf.if %cond3A_74 {
          %sub3A_94 = arith.constant 1 : i32
          %sub3A_95 = arith.subi %add3A_67, %sub3A_94 : i32
          %dma_wait3A_96 = arith.constant 0 : i32
          %dma_wait3A_97 = tpu.memref_slice %arg8[%sub3A_95, %dma_wait3A_96] : memref<40x128xi32, #tpu.memory_space<vmem>> -> memref<1x128xi32, #tpu.memory_space<vmem>>
          %dma_wait3A_98 = tpu.memref_squeeze %dma_wait3A_97 : memref<1x128xi32, #tpu.memory_space<vmem>> -> memref<128xi32, #tpu.memory_space<vmem>>
          %dma_wait3A_99 = arith.constant 0 : i32
          %dma_wait3A_100 = arith.constant 0 : i32
          %dma_wait3A_101 = tpu.memref_slice %arg9[%dma_wait3A_99, %dma_wait3A_100] : memref<10240x128xf32, #tpu.memory_space<vmem_shared>> -> memref<10240x128xf32, #tpu.memory_space<vmem_shared>>
          tpu.wait_indirect_dma semaphore(%arg14 : memref<!tpu.dma_semaphore, #tpu.memory_space<semaphore_mem>>) src(%arg10 : memref<128x128xf32, #tpu.memory_space<vmem>>) dst(%dma_wait3A_101 : memref<10240x128xf32, #tpu.memory_space<vmem_shared>>)
        } else {
        }
        %add3A_75 = arith.constant 1 : i32
        %add3A_76 = arith.addi %add3A_67, %add3A_75 : i32
        %lt3A_77 = arith.constant 40 : i32
        %lt3A_78 = arith.cmpi slt, %add3A_76, %lt3A_77 : i32
        %convert_element_type3A_79 = arith.extui %lt3A_78 : i1 to i32
        %cond3A_80 = arith.constant 0 : i32
        %cond3A_81 = arith.cmpi ne, %convert_element_type3A_79, %cond3A_80 : i32
        scf.if %cond3A_81 {
          %add3A_94 = arith.constant 1 : i32
          %add3A_95 = arith.addi %add3A_67, %add3A_94 : i32
          %dma_start3A_96 = arith.constant 0 : i32
          %dma_start3A_97 = tpu.memref_slice %arg7[%add3A_95, %dma_start3A_96] : memref<40x128xi32, #tpu.memory_space<vmem>> -> memref<1x128xi32, #tpu.memory_space<vmem>>
          %dma_start3A_98 = tpu.memref_squeeze %dma_start3A_97 : memref<1x128xi32, #tpu.memory_space<vmem>> -> memref<128xi32, #tpu.memory_space<vmem>>
          %dma_start3A_99 = arith.constant 0 : i32
          %dma_start3A_100 = arith.constant 0 : i32
          %dma_start3A_101 = tpu.memref_slice %arg2[%dma_start3A_99, %dma_start3A_100] : memref<10240x128xf32, #tpu.memory_space<hbm>> -> memref<10240x128xf32, #tpu.memory_space<hbm>>
          tpu.enqueue_indirect_dma source(%dma_start3A_101 : memref<10240x128xf32, #tpu.memory_space<hbm>>) target(%arg10 : memref<128x128xf32, #tpu.memory_space<vmem>>) offsets(%dma_start3A_98 : memref<128xi32, #tpu.memory_space<vmem>>) semaphore(%arg12 : memref<!tpu.dma_semaphore, #tpu.memory_space<semaphore_mem>>)
        } else {
        }
        %dma_wait3A_82 = arith.constant 0 : i32
        %dma_wait3A_83 = tpu.memref_slice %arg7[%add3A_67, %dma_wait3A_82] : memref<40x128xi32, #tpu.memory_space<vmem>> -> memref<1x128xi32, #tpu.memory_space<vmem>>
        %dma_wait3A_84 = tpu.memref_squeeze %dma_wait3A_83 : memref<1x128xi32, #tpu.memory_space<vmem>> -> memref<128xi32, #tpu.memory_space<vmem>>
        %dma_wait3A_85 = arith.constant 0 : i32
        %dma_wait3A_86 = arith.constant 0 : i32
        %dma_wait3A_87 = tpu.memref_slice %arg2[%dma_wait3A_85, %dma_wait3A_86] : memref<10240x128xf32, #tpu.memory_space<hbm>> -> memref<10240x128xf32, #tpu.memory_space<hbm>>
        tpu.wait_indirect_dma semaphore(%arg13 : memref<!tpu.dma_semaphore, #tpu.memory_space<semaphore_mem>>) src(%dma_wait3A_87 : memref<10240x128xf32, #tpu.memory_space<hbm>>) dst(%arg11 : memref<128x128xf32, #tpu.memory_space<vmem>>)
        %dma_start3A_88 = arith.constant 0 : i32
        %dma_start3A_89 = tpu.memref_slice %arg8[%add3A_67, %dma_start3A_88] : memref<40x128xi32, #tpu.memory_space<vmem>> -> memref<1x128xi32, #tpu.memory_space<vmem>>
        %dma_start3A_90 = tpu.memref_squeeze %dma_start3A_89 : memref<1x128xi32, #tpu.memory_space<vmem>> -> memref<128xi32, #tpu.memory_space<vmem>>
        %dma_start3A_91 = arith.constant 0 : i32
        %dma_start3A_92 = arith.constant 0 : i32
        %dma_start3A_93 = tpu.memref_slice %arg9[%dma_start3A_91, %dma_start3A_92] : memref<10240x128xf32, #tpu.memory_space<vmem_shared>> -> memref<10240x128xf32, #tpu.memory_space<vmem_shared>>
        tpu.enqueue_indirect_dma source(%arg11 : memref<128x128xf32, #tpu.memory_space<vmem>>) target(%dma_start3A_93 : memref<10240x128xf32, #tpu.memory_space<vmem_shared>>) offsets(%dma_start3A_90 : memref<128xi32, #tpu.memory_space<vmem>>) semaphore(%arg15 : memref<!tpu.dma_semaphore, #tpu.memory_space<semaphore_mem>>) {add = true}
      }
      %scan3A_31 = arith.constant 20 : i32
      %dma_wait3A = arith.constant 39 : i32
      %dma_wait3A_32 = arith.constant 0 : i32
      %dma_wait3A_33 = tpu.memref_slice %arg8[%dma_wait3A, %dma_wait3A_32] : memref<40x128xi32, #tpu.memory_space<vmem>> -> memref<1x128xi32, #tpu.memory_space<vmem>>
      %dma_wait3A_34 = tpu.memref_squeeze %dma_wait3A_33 : memref<1x128xi32, #tpu.memory_space<vmem>> -> memref<128xi32, #tpu.memory_space<vmem>>
      %dma_wait3A_35 = arith.constant 0 : i32
      %dma_wait3A_36 = arith.constant 0 : i32
      %dma_wait3A_37 = tpu.memref_slice %arg9[%dma_wait3A_35, %dma_wait3A_36] : memref<10240x128xf32, #tpu.memory_space<vmem_shared>> -> memref<10240x128xf32, #tpu.memory_space<vmem_shared>>
      tpu.wait_indirect_dma semaphore(%arg15 : memref<!tpu.dma_semaphore, #tpu.memory_space<semaphore_mem>>) src(%arg11 : memref<128x128xf32, #tpu.memory_space<vmem>>) dst(%dma_wait3A_37 : memref<10240x128xf32, #tpu.memory_space<vmem_shared>>)
    }
    %scan3A_13 = arith.constant 2 : i32
    %barrier3A_14 = arith.constant 0 : index
    tpu.barrier barrier_id(%barrier3A_14)
    "tpu.region"() ({
      %run_scoped3A = tpu.sem_alloc : memref<!tpu.dma_semaphore, #tpu.memory_space<semaphore_mem>>
      %dma_start3A = arith.constant 0 : i32
      %dma_start3A_15 = tpu.memref_slice %arg6[%arg0, %mul3A_2, %dma_start3A] : memref<2x10240x128xf32, #tpu.memory_space<hbm>> -> memref<1x640x128xf32, #tpu.memory_space<hbm>>
      %dma_start3A_16 = tpu.memref_squeeze %dma_start3A_15 : memref<1x640x128xf32, #tpu.memory_space<hbm>> -> memref<640x128xf32, #tpu.memory_space<hbm>>
      %dma_start3A_17 = arith.constant 0 : i32
      %dma_start3A_18 = tpu.memref_slice %arg9[%mul3A_2, %dma_start3A_17] : memref<10240x128xf32, #tpu.memory_space<vmem_shared>> -> memref<640x128xf32, #tpu.memory_space<vmem_shared>>
      tpu.enqueue_dma source(%dma_start3A_18 : memref<640x128xf32, #tpu.memory_space<vmem_shared>>) target(%dma_start3A_16 : memref<640x128xf32, #tpu.memory_space<hbm>>) target_semaphore(%run_scoped3A : memref<!tpu.dma_semaphore, #tpu.memory_space<semaphore_mem>>)
      %dma_wait3A = arith.constant 0 : i32
      %dma_wait3A_19 = tpu.memref_slice %arg6[%arg0, %mul3A_2, %dma_wait3A] : memref<2x10240x128xf32, #tpu.memory_space<hbm>> -> memref<1x640x128xf32, #tpu.memory_space<hbm>>
      %dma_wait3A_20 = tpu.memref_squeeze %dma_wait3A_19 : memref<1x640x128xf32, #tpu.memory_space<hbm>> -> memref<640x128xf32, #tpu.memory_space<hbm>>
      %dma_wait3A_21 = arith.constant 0 : i32
      %dma_wait3A_22 = tpu.memref_slice %arg9[%mul3A_2, %dma_wait3A_21] : memref<10240x128xf32, #tpu.memory_space<vmem_shared>> -> memref<640x128xf32, #tpu.memory_space<vmem_shared>>
      tpu.wait_dma2 semaphore(%run_scoped3A : memref<!tpu.dma_semaphore, #tpu.memory_space<semaphore_mem>>) src(%dma_wait3A_22 : memref<640x128xf32, #tpu.memory_space<vmem_shared>>) dst(%dma_wait3A_20 : memref<640x128xf32, #tpu.memory_space<hbm>>)
      tpu.yield
    }) : () -> ()
    return
  }
}

#map = affine_map<(d0, d1) -> (0, 0, 0)>
#map1 = affine_map<(d0, d1) -> (0)>
#map2 = affine_map<(d0, d1) -> (0, 0)>
module attributes {stable_mosaic.version = 14 : i64} {
  func.func @_deg_body(%arg0: i32, %arg1: i32, %arg2: memref<32x80x128xi32, #tpu.memory_space<hbm>>, %arg3: memref<81920xf32, #tpu.memory_space<hbm>>, %arg4: memref<128xf32, #tpu.memory_space<hbm>>, %arg5: memref<2x81920xf32, #tpu.memory_space<hbm>>, %arg6: memref<80x128xi32, #tpu.memory_space<vmem>>, %arg7: memref<128xf32, #tpu.memory_space<vmem>>, %arg8: memref<81920xf32, #tpu.memory_space<vmem_shared>>) attributes {dimension_semantics = [#tpu.dimension_semantics<core_parallel>, #tpu.dimension_semantics<subcore_parallel>], iteration_bounds = array<i64: 2, 16>, scalar_prefetch = 0 : i64, scratch_operands = 3 : i64, tpu.core_type = #tpu.core_type<sc_vector_subcore>, window_params = [{transform_indices = #map}, {transform_indices = #map1}, {transform_indices = #map1}, {transform_indices = #map2}]} {
    %mul3A = arith.constant 16 : i32
    %mul3A_0 = arith.muli %arg0, %mul3A : i32
    %add3A = arith.addi %mul3A_0, %arg1 : i32
    %mul3A_1 = arith.constant 5120 : i32
    %mul3A_2 = arith.muli %arg1, %mul3A_1 : i32
    "tpu.region"() ({
      %run_scoped3A = tpu.sem_alloc : memref<!tpu.dma_semaphore, #tpu.memory_space<semaphore_mem>>
      %dma_start3A = tpu.memref_slice %arg8[%mul3A_2] : memref<81920xf32, #tpu.memory_space<vmem_shared>> -> memref<5120xf32, #tpu.memory_space<vmem_shared>>
      %dma_start3A_9 = tpu.memref_slice %arg3[%mul3A_2] : memref<81920xf32, #tpu.memory_space<hbm>> -> memref<5120xf32, #tpu.memory_space<hbm>>
      tpu.enqueue_dma source(%dma_start3A_9 : memref<5120xf32, #tpu.memory_space<hbm>>) target(%dma_start3A : memref<5120xf32, #tpu.memory_space<vmem_shared>>) target_semaphore(%run_scoped3A : memref<!tpu.dma_semaphore, #tpu.memory_space<semaphore_mem>>)
      %dma_wait3A = tpu.memref_slice %arg8[%mul3A_2] : memref<81920xf32, #tpu.memory_space<vmem_shared>> -> memref<5120xf32, #tpu.memory_space<vmem_shared>>
      %dma_wait3A_10 = tpu.memref_slice %arg3[%mul3A_2] : memref<81920xf32, #tpu.memory_space<hbm>> -> memref<5120xf32, #tpu.memory_space<hbm>>
      tpu.wait_dma2 semaphore(%run_scoped3A : memref<!tpu.dma_semaphore, #tpu.memory_space<semaphore_mem>>) src(%dma_wait3A_10 : memref<5120xf32, #tpu.memory_space<hbm>>) dst(%dma_wait3A : memref<5120xf32, #tpu.memory_space<vmem_shared>>)
      tpu.yield
    }) : () -> ()
    "tpu.region"() ({
      %run_scoped3A = tpu.sem_alloc : memref<!tpu.dma_semaphore, #tpu.memory_space<semaphore_mem>>
      tpu.enqueue_dma source(%arg4 : memref<128xf32, #tpu.memory_space<hbm>>) target(%arg7 : memref<128xf32, #tpu.memory_space<vmem>>) target_semaphore(%run_scoped3A : memref<!tpu.dma_semaphore, #tpu.memory_space<semaphore_mem>>)
      tpu.wait_dma2 semaphore(%run_scoped3A : memref<!tpu.dma_semaphore, #tpu.memory_space<semaphore_mem>>) src(%arg4 : memref<128xf32, #tpu.memory_space<hbm>>) dst(%arg7 : memref<128xf32, #tpu.memory_space<vmem>>)
      tpu.yield
    }) : () -> ()
    "tpu.region"() ({
      %run_scoped3A = tpu.sem_alloc : memref<!tpu.dma_semaphore, #tpu.memory_space<semaphore_mem>>
      %dma_start3A = arith.constant 0 : i32
      %dma_start3A_9 = arith.constant 0 : i32
      %dma_start3A_10 = tpu.memref_slice %arg2[%add3A, %dma_start3A, %dma_start3A_9] : memref<32x80x128xi32, #tpu.memory_space<hbm>> -> memref<1x80x128xi32, #tpu.memory_space<hbm>>
      %dma_start3A_11 = tpu.memref_squeeze %dma_start3A_10 : memref<1x80x128xi32, #tpu.memory_space<hbm>> -> memref<80x128xi32, #tpu.memory_space<hbm>>
      %dma_start3A_12 = arith.constant 0 : i32
      %dma_start3A_13 = arith.constant 0 : i32
      %dma_start3A_14 = tpu.memref_slice %arg2[%add3A, %dma_start3A_12, %dma_start3A_13] : memref<32x80x128xi32, #tpu.memory_space<hbm>> -> memref<1x80x128xi32, #tpu.memory_space<hbm>>
      %dma_start3A_15 = tpu.memref_squeeze %dma_start3A_14 : memref<1x80x128xi32, #tpu.memory_space<hbm>> -> memref<80x128xi32, #tpu.memory_space<hbm>>
      tpu.enqueue_dma source(%dma_start3A_15 : memref<80x128xi32, #tpu.memory_space<hbm>>) target(%arg6 : memref<80x128xi32, #tpu.memory_space<vmem>>) target_semaphore(%run_scoped3A : memref<!tpu.dma_semaphore, #tpu.memory_space<semaphore_mem>>)
      %dma_wait3A = arith.constant 0 : i32
      %dma_wait3A_16 = arith.constant 0 : i32
      %dma_wait3A_17 = tpu.memref_slice %arg2[%add3A, %dma_wait3A, %dma_wait3A_16] : memref<32x80x128xi32, #tpu.memory_space<hbm>> -> memref<1x80x128xi32, #tpu.memory_space<hbm>>
      %dma_wait3A_18 = tpu.memref_squeeze %dma_wait3A_17 : memref<1x80x128xi32, #tpu.memory_space<hbm>> -> memref<80x128xi32, #tpu.memory_space<hbm>>
      %dma_wait3A_19 = arith.constant 0 : i32
      %dma_wait3A_20 = arith.constant 0 : i32
      %dma_wait3A_21 = tpu.memref_slice %arg2[%add3A, %dma_wait3A_19, %dma_wait3A_20] : memref<32x80x128xi32, #tpu.memory_space<hbm>> -> memref<1x80x128xi32, #tpu.memory_space<hbm>>
      %dma_wait3A_22 = tpu.memref_squeeze %dma_wait3A_21 : memref<1x80x128xi32, #tpu.memory_space<hbm>> -> memref<80x128xi32, #tpu.memory_space<hbm>>
      tpu.wait_dma2 semaphore(%run_scoped3A : memref<!tpu.dma_semaphore, #tpu.memory_space<semaphore_mem>>) src(%dma_wait3A_22 : memref<80x128xi32, #tpu.memory_space<hbm>>) dst(%arg6 : memref<80x128xi32, #tpu.memory_space<vmem>>)
      tpu.yield
    }) : () -> ()
    %barrier3A = arith.constant 0 : index
    tpu.barrier barrier_id(%barrier3A)
    %scan3A = arith.constant 0 : i32
    %scan3A_3 = arith.constant 0 : i32
    %scan3A_4 = arith.constant 80 : i32
    %scan3A_5 = arith.addi %scan3A_3, %scan3A_4 : i32
    %scan3A_6 = arith.constant 1 : i32
    scf.for %scan3A_9 = %scan3A_3 to %scan3A_5 step %scan3A_6  : i32 {
      "tpu.region"() ({
        %run_scoped3A = tpu.sem_alloc : memref<!tpu.dma_semaphore, #tpu.memory_space<semaphore_mem>>
        %dma_start3A = arith.constant 0 : i32
        %dma_start3A_10 = tpu.memref_slice %arg6[%scan3A_9, %dma_start3A] : memref<80x128xi32, #tpu.memory_space<vmem>> -> memref<1x128xi32, #tpu.memory_space<vmem>>
        %dma_start3A_11 = tpu.memref_squeeze %dma_start3A_10 : memref<1x128xi32, #tpu.memory_space<vmem>> -> memref<128xi32, #tpu.memory_space<vmem>>
        %dma_start3A_12 = arith.constant 0 : i32
        %dma_start3A_13 = tpu.memref_slice %arg8[%dma_start3A_12] : memref<81920xf32, #tpu.memory_space<vmem_shared>> -> memref<81920xf32, #tpu.memory_space<vmem_shared>>
        tpu.enqueue_indirect_dma source(%arg7 : memref<128xf32, #tpu.memory_space<vmem>>) target(%dma_start3A_13 : memref<81920xf32, #tpu.memory_space<vmem_shared>>) offsets(%dma_start3A_11 : memref<128xi32, #tpu.memory_space<vmem>>) semaphore(%run_scoped3A : memref<!tpu.dma_semaphore, #tpu.memory_space<semaphore_mem>>) {add = true}
        %dma_wait3A = arith.constant 0 : i32
        %dma_wait3A_14 = tpu.memref_slice %arg6[%scan3A_9, %dma_wait3A] : memref<80x128xi32, #tpu.memory_space<vmem>> -> memref<1x128xi32, #tpu.memory_space<vmem>>
        %dma_wait3A_15 = tpu.memref_squeeze %dma_wait3A_14 : memref<1x128xi32, #tpu.memory_space<vmem>> -> memref<128xi32, #tpu.memory_space<vmem>>
        %dma_wait3A_16 = arith.constant 0 : i32
        %dma_wait3A_17 = tpu.memref_slice %arg8[%dma_wait3A_16] : memref<81920xf32, #tpu.memory_space<vmem_shared>> -> memref<81920xf32, #tpu.memory_space<vmem_shared>>
        tpu.wait_indirect_dma semaphore(%run_scoped3A : memref<!tpu.dma_semaphore, #tpu.memory_space<semaphore_mem>>) src(%arg7 : memref<128xf32, #tpu.memory_space<vmem>>) dst(%dma_wait3A_17 : memref<81920xf32, #tpu.memory_space<vmem_shared>>)
        tpu.yield
      }) : () -> ()
    }
    %scan3A_7 = arith.constant 80 : i32
    %barrier3A_8 = arith.constant 0 : index
    tpu.barrier barrier_id(%barrier3A_8)
    "tpu.region"() ({
      %run_scoped3A = tpu.sem_alloc : memref<!tpu.dma_semaphore, #tpu.memory_space<semaphore_mem>>
      %dma_start3A = tpu.memref_slice %arg5[%arg0, %mul3A_2] : memref<2x81920xf32, #tpu.memory_space<hbm>> -> memref<1x5120xf32, #tpu.memory_space<hbm>>
      %dma_start3A_9 = tpu.memref_squeeze %dma_start3A : memref<1x5120xf32, #tpu.memory_space<hbm>> -> memref<5120xf32, #tpu.memory_space<hbm>>
      %dma_start3A_10 = tpu.memref_slice %arg8[%mul3A_2] : memref<81920xf32, #tpu.memory_space<vmem_shared>> -> memref<5120xf32, #tpu.memory_space<vmem_shared>>
      tpu.enqueue_dma source(%dma_start3A_10 : memref<5120xf32, #tpu.memory_space<vmem_shared>>) target(%dma_start3A_9 : memref<5120xf32, #tpu.memory_space<hbm>>) target_semaphore(%run_scoped3A : memref<!tpu.dma_semaphore, #tpu.memory_space<semaphore_mem>>)
      %dma_wait3A = tpu.memref_slice %arg5[%arg0, %mul3A_2] : memref<2x81920xf32, #tpu.memory_space<hbm>> -> memref<1x5120xf32, #tpu.memory_space<hbm>>
      %dma_wait3A_11 = tpu.memref_squeeze %dma_wait3A : memref<1x5120xf32, #tpu.memory_space<hbm>> -> memref<5120xf32, #tpu.memory_space<hbm>>
      %dma_wait3A_12 = tpu.memref_slice %arg8[%mul3A_2] : memref<81920xf32, #tpu.memory_space<vmem_shared>> -> memref<5120xf32, #tpu.memory_space<vmem_shared>>
      tpu.wait_dma2 semaphore(%run_scoped3A : memref<!tpu.dma_semaphore, #tpu.memory_space<semaphore_mem>>) src(%dma_wait3A_12 : memref<5120xf32, #tpu.memory_space<vmem_shared>>) dst(%dma_wait3A_11 : memref<5120xf32, #tpu.memory_space<hbm>>)
      tpu.yield
    }) : () -> ()
    return
  }
}

module attributes {stable_mosaic.version = 14 : i64} {
  func.func @_mm_body(%arg0: i32, %arg1: memref<1024x128xf32, #tpu.memory_space<vmem>>, %arg2: memref<2x1024x8xf32, #tpu.memory_space<vmem>>, %arg3: memref<128x128xf32, #tpu.memory_space<vmem>>, %arg4: memref<1024x128xf32, #tpu.memory_space<vmem>>) attributes {dimension_semantics = [#tpu.dimension_semantics<arbitrary>], iteration_bounds = array<i64: 10>, scalar_prefetch = 0 : i64, scratch_operands = 0 : i64, tpu.core_type = #tpu.core_type<tc>, window_params = [{transform_indices = @transform_0, window_bounds = array<i64: 1024, 128>}, {transform_indices = @transform_1, window_bounds = array<i64: 2, 1024, 8>}, {pipeline_mode = #tpu.pipeline_mode<synchronous>, transform_indices = @transform_2, window_bounds = array<i64: 128, 128>}, {transform_indices = @transform_3, window_bounds = array<i64: 1024, 128>}]} {
    %get3A = arith.constant 0 : index
    %get3A_0 = arith.constant 0 : index
    %get3A_1 = arith.constant 0 : index
    %get3A_2 = vector.load %arg2[%get3A, %get3A_0, %get3A_1] : memref<2x1024x8xf32, #tpu.memory_space<vmem>>, vector<2x1024x8xf32>
    %slice3A = vector.extract_strided_slice %get3A_2 {offsets = [0, 0, 0], sizes = [1, 1024, 8], strides = [1, 1, 1]} : vector<2x1024x8xf32> to vector<1x1024x8xf32>
    %squeeze3A = vector.shape_cast %slice3A : vector<1x1024x8xf32> to vector<1024x8xf32>
    %slice3A_3 = vector.extract_strided_slice %get3A_2 {offsets = [1, 0, 0], sizes = [1, 1024, 8], strides = [1, 1, 1]} : vector<2x1024x8xf32> to vector<1x1024x8xf32>
    %squeeze3A_4 = vector.shape_cast %slice3A_3 : vector<1x1024x8xf32> to vector<1024x8xf32>
    %add3A = arith.addf %squeeze3A, %squeeze3A_4 : vector<1024x8xf32>
    %add3A_5 = arith.constant 1.000000e+00 : f32
    %add3A_6 = vector.broadcast %add3A_5 : f32 to vector<1024x8xf32>
    %add3A_7 = arith.addf %add3A, %add3A_6 : vector<1024x8xf32>
    %slice3A_8 = vector.extract_strided_slice %add3A_7 {offsets = [0, 0], sizes = [1024, 1], strides = [1, 1]} : vector<1024x8xf32> to vector<1024x1xf32>
    %max3A = arith.constant 9.99999996E-13 : f32
    %max3A_9 = vector.broadcast %max3A : f32 to vector<1024x1xf32>
    %max3A_10 = arith.maximumf %slice3A_8, %max3A_9 : vector<1024x1xf32>
    %rsqrt3A = math.rsqrt %max3A_10 : vector<1024x1xf32>
    %get3A_11 = arith.constant 0 : index
    %get3A_12 = arith.constant 0 : index
    %get3A_13 = vector.load %arg1[%get3A_11, %get3A_12] : memref<1024x128xf32, #tpu.memory_space<vmem>>, vector<1024x128xf32>
    %get3A_14 = arith.constant 0 : index
    %get3A_15 = arith.constant 0 : index
    %get3A_16 = vector.load %arg3[%get3A_14, %get3A_15] : memref<128x128xf32, #tpu.memory_space<vmem>>, vector<128x128xf32>
    %dot_general3A = arith.constant dense<0.000000e+00> : vector<1024x128xf32>
    %dot_general3A_17 = tpu.matmul %get3A_13, %get3A_16, %dot_general3A {dimension_numbers = #tpu.dot_dimension_numbers<[1], [0], [0], [1], [0, 0, 1, 1], [], []>, transpose_lhs_hint = false} : vector<1024x128xf32>, vector<128x128xf32>, vector<1024x128xf32> -> vector<1024x128xf32>
    %mul3A = vector.broadcast %rsqrt3A : vector<1024x1xf32> to vector<1024x128xf32>
    %mul3A_18 = arith.mulf %dot_general3A_17, %mul3A : vector<1024x128xf32>
    %swap3A = arith.constant 0 : index
    %swap3A_19 = arith.constant 0 : index
    %swap3A_20 = vector.load %arg4[%swap3A, %swap3A_19] : memref<1024x128xf32, #tpu.memory_space<vmem>>, vector<1024x128xf32>
    tpu.vector_store %arg4[%swap3A, %swap3A_19], %mul3A_18 {strides = array<i32>} : memref<1024x128xf32, #tpu.memory_space<vmem>>, vector<1024x128xf32>,
    return
  }
  func.func @transform_0(%arg0: i32) -> (i32, i32) {
    %c0_i32 = arith.constant 0 : i32
    %c0_i32_0 = arith.constant 0 : i32
    return %arg0, %c0_i32 : i32, i32
  }
  func.func @transform_1(%arg0: i32) -> (i32, i32, i32) {
    %c0_i32 = arith.constant 0 : i32
    %c0_i32_0 = arith.constant 0 : i32
    %c0_i32_1 = arith.constant 0 : i32
    return %c0_i32, %arg0, %c0_i32_0 : i32, i32, i32
  }
  func.func @transform_2(%arg0: i32) -> (i32, i32) {
    %c0_i32 = arith.constant 0 : i32
    %c0_i32_0 = arith.constant 0 : i32
    %c0_i32_1 = arith.constant 0 : i32
    return %c0_i32, %c0_i32_0 : i32, i32
  }
  func.func @transform_3(%arg0: i32) -> (i32, i32) {
    %c0_i32 = arith.constant 0 : i32
    %c0_i32_0 = arith.constant 0 : i32
    return %arg0, %c0_i32 : i32, i32
  }
}

module attributes {stable_mosaic.version = 14 : i64} {
  func.func @_fire_body(%arg0: i32, %arg1: memref<2x1000x128xf32, #tpu.memory_space<vmem>>, %arg2: memref<2x1000x8xf32, #tpu.memory_space<vmem>>, %arg3: memref<1x128xf32, #tpu.memory_space<vmem>>, %arg4: memref<4x1000x128xf32, #tpu.memory_space<vmem>>, %arg5: memref<4x1000x128xf32, #tpu.memory_space<vmem>>) attributes {dimension_semantics = [#tpu.dimension_semantics<arbitrary>], iteration_bounds = array<i64: 10>, scalar_prefetch = 0 : i64, scratch_operands = 0 : i64, tpu.core_type = #tpu.core_type<tc>, window_params = [{transform_indices = @transform_0, window_bounds = array<i64: 2, 1000, 128>}, {transform_indices = @transform_1, window_bounds = array<i64: 2, 1000, 8>}, {pipeline_mode = #tpu.pipeline_mode<synchronous>, transform_indices = @transform_2, window_bounds = array<i64: 1, 128>}, {transform_indices = @transform_3, window_bounds = array<i64: 4, 1000, 128>}, {transform_indices = @transform_4, window_bounds = array<i64: 4, 1000, 128>}]} {
    %get3A = arith.constant 0 : index
    %get3A_0 = arith.constant 0 : index
    %get3A_1 = arith.constant 0 : index
    %get3A_2 = vector.load %arg2[%get3A, %get3A_0, %get3A_1] : memref<2x1000x8xf32, #tpu.memory_space<vmem>>, vector<2x1000x8xf32>
    %slice3A = vector.extract_strided_slice %get3A_2 {offsets = [0, 0, 0], sizes = [1, 1000, 8], strides = [1, 1, 1]} : vector<2x1000x8xf32> to vector<1x1000x8xf32>
    %squeeze3A = vector.shape_cast %slice3A : vector<1x1000x8xf32> to vector<1000x8xf32>
    %slice3A_3 = vector.extract_strided_slice %get3A_2 {offsets = [1, 0, 0], sizes = [1, 1000, 8], strides = [1, 1, 1]} : vector<2x1000x8xf32> to vector<1x1000x8xf32>
    %squeeze3A_4 = vector.shape_cast %slice3A_3 : vector<1x1000x8xf32> to vector<1000x8xf32>
    %add3A = arith.addf %squeeze3A, %squeeze3A_4 : vector<1000x8xf32>
    %add3A_5 = arith.constant 1.000000e+00 : f32
    %add3A_6 = vector.broadcast %add3A_5 : f32 to vector<1000x8xf32>
    %add3A_7 = arith.addf %add3A, %add3A_6 : vector<1000x8xf32>
    %slice3A_8 = vector.extract_strided_slice %add3A_7 {offsets = [0, 0], sizes = [1000, 1], strides = [1, 1]} : vector<1000x8xf32> to vector<1000x1xf32>
    %max3A = arith.constant 9.99999996E-13 : f32
    %max3A_9 = vector.broadcast %max3A : f32 to vector<1000x1xf32>
    %max3A_10 = arith.maximumf %slice3A_8, %max3A_9 : vector<1000x1xf32>
    %rsqrt3A = math.rsqrt %max3A_10 : vector<1000x1xf32>
    %get3A_11 = arith.constant 0 : index
    %get3A_12 = arith.constant 0 : index
    %get3A_13 = arith.constant 0 : index
    %get3A_14 = vector.load %arg1[%get3A_11, %get3A_12, %get3A_13] : memref<2x1000x128xf32, #tpu.memory_space<vmem>>, vector<1x1000x128xf32>
    %get3A_15 = vector.shape_cast %get3A_14 : vector<1x1000x128xf32> to vector<1000x128xf32>
    %get3A_16 = arith.constant 1 : index
    %get3A_17 = arith.constant 0 : index
    %get3A_18 = arith.constant 0 : index
    %get3A_19 = vector.load %arg1[%get3A_16, %get3A_17, %get3A_18] : memref<2x1000x128xf32, #tpu.memory_space<vmem>>, vector<1x1000x128xf32>
    %get3A_20 = vector.shape_cast %get3A_19 : vector<1x1000x128xf32> to vector<1000x128xf32>
    %add3A_21 = arith.addf %get3A_15, %get3A_20 : vector<1000x128xf32>
    %mul3A = vector.broadcast %rsqrt3A : vector<1000x1xf32> to vector<1000x128xf32>
    %mul3A_22 = arith.mulf %add3A_21, %mul3A : vector<1000x128xf32>
    %get3A_23 = arith.constant 0 : index
    %get3A_24 = arith.constant 0 : index
    %get3A_25 = vector.load %arg3[%get3A_23, %get3A_24] : memref<1x128xf32, #tpu.memory_space<vmem>>, vector<1x128xf32>
    %add3A_26 = vector.broadcast %get3A_25 : vector<1x128xf32> to vector<1000x128xf32>
    %add3A_27 = arith.addf %mul3A_22, %add3A_26 : vector<1000x128xf32>
    %broadcast_in_dim3A = arith.constant 0.000000e+00 : f32
    %broadcast_in_dim3A_28 = vector.broadcast %broadcast_in_dim3A : f32 to vector<1000x128xf32>
    %add3A_29 = arith.addf %broadcast_in_dim3A_28, %add3A_27 : vector<1000x128xf32>
    %ge3A = arith.constant 1.000000e+00 : f32
    %ge3A_30 = vector.broadcast %ge3A : f32 to vector<1000x128xf32>
    %ge3A_31 = arith.cmpf oge, %add3A_29, %ge3A_30 : vector<1000x128xf32>
    %convert_element_type3A = arith.extui %ge3A_31 : vector<1000x128xi1> to vector<1000x128xi32>
    %convert_element_type3A_32 = arith.sitofp %convert_element_type3A : vector<1000x128xi32> to vector<1000x128xf32>
    %sub3A = arith.constant 1.000000e+00 : f32
    %sub3A_33 = vector.broadcast %sub3A : f32 to vector<1000x128xf32>
    %sub3A_34 = arith.subf %sub3A_33, %convert_element_type3A_32 : vector<1000x128xf32>
    %mul3A_35 = arith.mulf %add3A_29, %sub3A_34 : vector<1000x128xf32>
    %swap3A = arith.constant 0 : index
    %swap3A_36 = arith.constant 0 : index
    %swap3A_37 = arith.constant 0 : index
    %swap3A_38 = vector.load %arg4[%swap3A, %swap3A_36, %swap3A_37] : memref<4x1000x128xf32, #tpu.memory_space<vmem>>, vector<1x1000x128xf32>
    %swap3A_39 = vector.shape_cast %swap3A_38 : vector<1x1000x128xf32> to vector<1000x128xf32>
    %swap3A_40 = vector.shape_cast %convert_element_type3A_32 : vector<1000x128xf32> to vector<1x1000x128xf32>
    tpu.vector_store %arg4[%swap3A, %swap3A_36, %swap3A_37], %swap3A_40 {strides = array<i32>} : memref<4x1000x128xf32, #tpu.memory_space<vmem>>, vector<1x1000x128xf32>,
    %swap3A_41 = arith.constant 0 : index
    %swap3A_42 = arith.constant 0 : index
    %swap3A_43 = arith.constant 0 : index
    %swap3A_44 = vector.load %arg5[%swap3A_41, %swap3A_42, %swap3A_43] : memref<4x1000x128xf32, #tpu.memory_space<vmem>>, vector<1x1000x128xf32>
    %swap3A_45 = vector.shape_cast %swap3A_44 : vector<1x1000x128xf32> to vector<1000x128xf32>
    %swap3A_46 = vector.shape_cast %mul3A_35 : vector<1000x128xf32> to vector<1x1000x128xf32>
    tpu.vector_store %arg5[%swap3A_41, %swap3A_42, %swap3A_43], %swap3A_46 {strides = array<i32>} : memref<4x1000x128xf32, #tpu.memory_space<vmem>>, vector<1x1000x128xf32>,
    %add3A_47 = arith.addf %mul3A_35, %add3A_27 : vector<1000x128xf32>
    %ge3A_48 = arith.constant 1.000000e+00 : f32
    %ge3A_49 = vector.broadcast %ge3A_48 : f32 to vector<1000x128xf32>
    %ge3A_50 = arith.cmpf oge, %add3A_47, %ge3A_49 : vector<1000x128xf32>
    %convert_element_type3A_51 = arith.extui %ge3A_50 : vector<1000x128xi1> to vector<1000x128xi32>
    %convert_element_type3A_52 = arith.sitofp %convert_element_type3A_51 : vector<1000x128xi32> to vector<1000x128xf32>
    %sub3A_53 = arith.constant 1.000000e+00 : f32
    %sub3A_54 = vector.broadcast %sub3A_53 : f32 to vector<1000x128xf32>
    %sub3A_55 = arith.subf %sub3A_54, %convert_element_type3A_52 : vector<1000x128xf32>
    %mul3A_56 = arith.mulf %add3A_47, %sub3A_55 : vector<1000x128xf32>
    %swap3A_57 = arith.constant 1 : index
    %swap3A_58 = arith.constant 0 : index
    %swap3A_59 = arith.constant 0 : index
    %swap3A_60 = vector.load %arg4[%swap3A_57, %swap3A_58, %swap3A_59] : memref<4x1000x128xf32, #tpu.memory_space<vmem>>, vector<1x1000x128xf32>
    %swap3A_61 = vector.shape_cast %swap3A_60 : vector<1x1000x128xf32> to vector<1000x128xf32>
    %swap3A_62 = vector.shape_cast %convert_element_type3A_52 : vector<1000x128xf32> to vector<1x1000x128xf32>
    tpu.vector_store %arg4[%swap3A_57, %swap3A_58, %swap3A_59], %swap3A_62 {strides = array<i32>} : memref<4x1000x128xf32, #tpu.memory_space<vmem>>, vector<1x1000x128xf32>,
    %swap3A_63 = arith.constant 1 : index
    %swap3A_64 = arith.constant 0 : index
    %swap3A_65 = arith.constant 0 : index
    %swap3A_66 = vector.load %arg5[%swap3A_63, %swap3A_64, %swap3A_65] : memref<4x1000x128xf32, #tpu.memory_space<vmem>>, vector<1x1000x128xf32>
    %swap3A_67 = vector.shape_cast %swap3A_66 : vector<1x1000x128xf32> to vector<1000x128xf32>
    %swap3A_68 = vector.shape_cast %mul3A_56 : vector<1000x128xf32> to vector<1x1000x128xf32>
    tpu.vector_store %arg5[%swap3A_63, %swap3A_64, %swap3A_65], %swap3A_68 {strides = array<i32>} : memref<4x1000x128xf32, #tpu.memory_space<vmem>>, vector<1x1000x128xf32>,
    %add3A_69 = arith.addf %mul3A_56, %add3A_27 : vector<1000x128xf32>
    %ge3A_70 = arith.constant 1.000000e+00 : f32
    %ge3A_71 = vector.broadcast %ge3A_70 : f32 to vector<1000x128xf32>
    %ge3A_72 = arith.cmpf oge, %add3A_69, %ge3A_71 : vector<1000x128xf32>
    %convert_element_type3A_73 = arith.extui %ge3A_72 : vector<1000x128xi1> to vector<1000x128xi32>
    %convert_element_type3A_74 = arith.sitofp %convert_element_type3A_73 : vector<1000x128xi32> to vector<1000x128xf32>
    %sub3A_75 = arith.constant 1.000000e+00 : f32
    %sub3A_76 = vector.broadcast %sub3A_75 : f32 to vector<1000x128xf32>
    %sub3A_77 = arith.subf %sub3A_76, %convert_element_type3A_74 : vector<1000x128xf32>
    %mul3A_78 = arith.mulf %add3A_69, %sub3A_77 : vector<1000x128xf32>
    %swap3A_79 = arith.constant 2 : index
    %swap3A_80 = arith.constant 0 : index
    %swap3A_81 = arith.constant 0 : index
    %swap3A_82 = vector.load %arg4[%swap3A_79, %swap3A_80, %swap3A_81] : memref<4x1000x128xf32, #tpu.memory_space<vmem>>, vector<1x1000x128xf32>
    %swap3A_83 = vector.shape_cast %swap3A_82 : vector<1x1000x128xf32> to vector<1000x128xf32>
    %swap3A_84 = vector.shape_cast %convert_element_type3A_74 : vector<1000x128xf32> to vector<1x1000x128xf32>
    tpu.vector_store %arg4[%swap3A_79, %swap3A_80, %swap3A_81], %swap3A_84 {strides = array<i32>} : memref<4x1000x128xf32, #tpu.memory_space<vmem>>, vector<1x1000x128xf32>,
    %swap3A_85 = arith.constant 2 : index
    %swap3A_86 = arith.constant 0 : index
    %swap3A_87 = arith.constant 0 : index
    %swap3A_88 = vector.load %arg5[%swap3A_85, %swap3A_86, %swap3A_87] : memref<4x1000x128xf32, #tpu.memory_space<vmem>>, vector<1x1000x128xf32>
    %swap3A_89 = vector.shape_cast %swap3A_88 : vector<1x1000x128xf32> to vector<1000x128xf32>
    %swap3A_90 = vector.shape_cast %mul3A_78 : vector<1000x128xf32> to vector<1x1000x128xf32>
    tpu.vector_store %arg5[%swap3A_85, %swap3A_86, %swap3A_87], %swap3A_90 {strides = array<i32>} : memref<4x1000x128xf32, #tpu.memory_space<vmem>>, vector<1x1000x128xf32>,
    %add3A_91 = arith.addf %mul3A_78, %add3A_27 : vector<1000x128xf32>
    %ge3A_92 = arith.constant 1.000000e+00 : f32
    %ge3A_93 = vector.broadcast %ge3A_92 : f32 to vector<1000x128xf32>
    %ge3A_94 = arith.cmpf oge, %add3A_91, %ge3A_93 : vector<1000x128xf32>
    %convert_element_type3A_95 = arith.extui %ge3A_94 : vector<1000x128xi1> to vector<1000x128xi32>
    %convert_element_type3A_96 = arith.sitofp %convert_element_type3A_95 : vector<1000x128xi32> to vector<1000x128xf32>
    %sub3A_97 = arith.constant 1.000000e+00 : f32
    %sub3A_98 = vector.broadcast %sub3A_97 : f32 to vector<1000x128xf32>
    %sub3A_99 = arith.subf %sub3A_98, %convert_element_type3A_96 : vector<1000x128xf32>
    %mul3A_100 = arith.mulf %add3A_91, %sub3A_99 : vector<1000x128xf32>
    %swap3A_101 = arith.constant 3 : index
    %swap3A_102 = arith.constant 0 : index
    %swap3A_103 = arith.constant 0 : index
    %swap3A_104 = vector.load %arg4[%swap3A_101, %swap3A_102, %swap3A_103] : memref<4x1000x128xf32, #tpu.memory_space<vmem>>, vector<1x1000x128xf32>
    %swap3A_105 = vector.shape_cast %swap3A_104 : vector<1x1000x128xf32> to vector<1000x128xf32>
    %swap3A_106 = vector.shape_cast %convert_element_type3A_96 : vector<1000x128xf32> to vector<1x1000x128xf32>
    tpu.vector_store %arg4[%swap3A_101, %swap3A_102, %swap3A_103], %swap3A_106 {strides = array<i32>} : memref<4x1000x128xf32, #tpu.memory_space<vmem>>, vector<1x1000x128xf32>,
    %swap3A_107 = arith.constant 3 : index
    %swap3A_108 = arith.constant 0 : index
    %swap3A_109 = arith.constant 0 : index
    %swap3A_110 = vector.load %arg5[%swap3A_107, %swap3A_108, %swap3A_109] : memref<4x1000x128xf32, #tpu.memory_space<vmem>>, vector<1x1000x128xf32>
    %swap3A_111 = vector.shape_cast %swap3A_110 : vector<1x1000x128xf32> to vector<1000x128xf32>
    %swap3A_112 = vector.shape_cast %mul3A_100 : vector<1000x128xf32> to vector<1x1000x128xf32>
    tpu.vector_store %arg5[%swap3A_107, %swap3A_108, %swap3A_109], %swap3A_112 {strides = array<i32>} : memref<4x1000x128xf32, #tpu.memory_space<vmem>>, vector<1x1000x128xf32>,
    return
  }
  func.func @transform_0(%arg0: i32) -> (i32, i32, i32) {
    %c0_i32 = arith.constant 0 : i32
    %c0_i32_0 = arith.constant 0 : i32
    %c0_i32_1 = arith.constant 0 : i32
    return %c0_i32, %arg0, %c0_i32_0 : i32, i32, i32
  }
  func.func @transform_1(%arg0: i32) -> (i32, i32, i32) {
    %c0_i32 = arith.constant 0 : i32
    %c0_i32_0 = arith.constant 0 : i32
    %c0_i32_1 = arith.constant 0 : i32
    return %c0_i32, %arg0, %c0_i32_0 : i32, i32, i32
  }
  func.func @transform_2(%arg0: i32) -> (i32, i32) {
    %c0_i32 = arith.constant 0 : i32
    %c0_i32_0 = arith.constant 0 : i32
    %c0_i32_1 = arith.constant 0 : i32
    return %c0_i32, %c0_i32_0 : i32, i32
  }
  func.func @transform_3(%arg0: i32) -> (i32, i32, i32) {
    %c0_i32 = arith.constant 0 : i32
    %c0_i32_0 = arith.constant 0 : i32
    %c0_i32_1 = arith.constant 0 : i32
    return %c0_i32, %arg0, %c0_i32_0 : i32, i32, i32
  }
  func.func @transform_4(%arg0: i32) -> (i32, i32, i32) {
    %c0_i32 = arith.constant 0 : i32
    %c0_i32_0 = arith.constant 0 : i32
    %c0_i32_1 = arith.constant 0 : i32
    return %c0_i32, %arg0, %c0_i32_0 : i32, i32, i32
  }
}

</mosaic_0001>

<sc_bundles>
// kernel: kernel.6.cloned.1.call-start
scs
__scs_entry_jumppad:
0x0: {  	(pc) =	sbr.rel $0x88, $3  }
0x1: {  	(tag) =	ssettag $0x0;
	lr =	simm.s32 $0x1  }
0x2: {  	[smem:$0x3F9D] =	sst lr;
	_ =	strace $0xD0000000  }
0x3: {  	_ = 	snop  }
0x4: {  	_ = 	snop  }
0x5: {  	_ = 	snop  }
0x6: {  	_ = 	snop  }
0x7: {  	_ = 	snop  }
__scs_overlays_trampoline_lowered:
0x8: {  	[smem:$0x3FAC] =	sst s0  }
0x9: {  	[smem:$0x3FAD] =	sst s1  }
0xa: {  	[smem:$0x3FAE] =	sst s2  }
0xb: {  	[smem:$0x3FAF] =	sst s3  }
0xc: {  	[smem:$0x3FB0] =	sst s4  }
0xd: {  	[smem:$0x3FB1] =	sst s5  }
0xe: {  	[smem:$0x3FB2] =	sst s6  }
0xf: {  	[smem:$0x3FB3] =	sst s7  }
0x10: {  	[smem:$0x3FB4] =	sst s8  }
0x11: {  	[smem:$0x3FB5] =	sst s9;
	s0 =	simm.s32 @!p0 $0x0  }
0x12: {  	s1 =	sld [smem:$0x3F9B];
	s0 =	simm.s32 @p0 $0x1  }
0x13: {  	[smem:$0x3FB6] =	sst s0;
	s0 =	simm.s32 @!p1 $0x0  }
0x14: {  	s2 =	sld [smem:$0x3F9A];
	s0 =	simm.s32 @p1 $0x1  }
0x15: {  	[smem:$0x3FB7] =	sst s0;
	s0 =	simm.s32 @!p2 $0x0  }
0x16: {  	s3 =	sld [smem:$0x3FDB];
	s0 =	simm.s32 @p2 $0x1  }
0x17: {  	s4 =	simm.s32 $0x1BF5;
	[smem:$0x3FB9] =	sst s0  }
0x18: {  	s0 =	sld [smem:$0x3F9C];
	_ =	swait.ge [sflag:s4], $0x0  }
0x19: {  	s7 =	sld [smem:$0x3F9D]  }
0x1a: {  	s8 =	sadd.s32 $0xFFFFE003, lr  }
0x1b: {  	s9 =	sadd.s32 $0xFFFFFEF7, lr;
	s5 =	simm.s32 $0xFFFFFFFF;
	p2 =	slt.u32 s8, $0xFFFFF086  }
0x1c: {  	p1 =	slt.u32 s9, $0xF7A;
	s5 =	simm.s32 @!p2 $0x0  }
0x1d: {  	s5 =	simm.s32 @p1 $0x1;
	p0 =	seq.s32 s7, s2  }
0x1e: {  	s7 =	smul.u32 @!p0 $0xF7A, s2;
	p2 =	seq.s32 @!p0 s5, $0x0  }
0x1f: {  	s9 =	smul.u32 $0xF7A, s1;
	s8 =	simm.s32 @!p0 $0x1BF5;
	p2 =	por !p2, p0  }
0x20: {  	[sflag:s8] =	ssyncset.s32 @!p0 $0xFFFFF086;
	s6 =	sadd.s32 @!p0 s3, s7;
	s7 =	simm.s32 @!p0 $0x108  }
0x21: {  	s3 =	sadd.s32 s3, s9;
	s6 =	sadd.s32 @!p0 $0x88, s6;
	s7 =	simm.s32 @p2 $0x1082  }
0x22: {  	[simem:s7], [sflag:s8] =	dma.local @!p0 [hbm:s6], $0xF7A  }
0x23: {  	s9 =	sor.u32 $0xD0000000, s2;
	s6 =	simm.s32 $0x108;
	_ =	swait.ge @!p0 [sflag:s8], $0x0  }
0x24: {  	s3 =	sadd.s32 $0x88, s3;
	s6 =	simm.s32 @!p1 $0x1082;
	[sflag:s4] =	ssyncset.s32 $0xFFFFF086  }
0x25: {  	[simem:s6], [sflag:s4] =	dma.local [hbm:s3], $0xF7A  }
0x26: {  	[smem:$0x3F9D] =	sst s1;
	(tag) =	ssettag s2;
	_ =	strace s9  }
0x27: {  	s1 =	sld [smem:$0x3FAD]  }
0x28: {  	s2 =	sld [smem:$0x3FAE]  }
0x29: {  	s4 =	sld [smem:$0x3FB0]  }
0x2a: {  	p0 =	seq.s32 s5, $0x0;
	s5 =	sld [smem:$0x3FB1]  }
0x2b: {  	s6 =	sld [smem:$0x3FB2]  }
0x2c: {  	s7 =	sld [smem:$0x3FB3]  }
0x2d: {  	s3 =	simm.s32 $0x108;
	s8 =	sld [smem:$0x3FB4]  }
0x2e: {  	s3 =	simm.s32 @!p0 $0x1082;
	s9 =	sld [smem:$0x3FB5]  }
0x2f: {  	lr =	sadd.s32 s0, s3;
	s0 =	sld [smem:$0x3FAC]  }
0x30: {  	s3 =	sld [smem:$0x3FAF]  }
0x31: {  	[smem:$0x3FB8] =	sst s10  }
0x32: {  	s10 =	sld [smem:$0x3FB6];
	_ =	sdelay $0x3  }
0x33: {  	p0 =	seq.s32 s10, $0x1;
	s10 =	sld [smem:$0x3FB8];
	_ =	sdelay $0x3  }
0x34: {  	[smem:$0x3FB8] =	sst s10  }
0x35: {  	s10 =	sld [smem:$0x3FB7];
	_ =	sdelay $0x3  }
0x36: {  	p1 =	seq.s32 s10, $0x1;
	s10 =	sld [smem:$0x3FB8];
	_ =	sdelay $0x3  }
0x37: {  	[smem:$0x3FB8] =	sst s10  }
0x38: {  	s10 =	sld [smem:$0x3FB9]  }
0x39: {  	_ = 	snop;
	(pc) =	sbr.ind lr, $3  }
0x3a: {  	_ = 	snop  }
0x3b: {  	_ = 	snop  }
0x3c: {  	p2 =	seq.s32 s10, $0x1;
	s10 =	sld [smem:$0x3FB8]  }
0x3d: {  	_ =	shalt  }
0x3e: {  	_ =	shalt  }
0x3f: {  	_ =	shalt  }
0x40: {  	_ =	shalt  }
0x41: {  	_ =	shalt  }
0x42: {  	_ =	shalt  }
0x43: {  	_ =	shalt  }
0x44: {  	_ =	shalt  }
0x45: {  	_ =	shalt  }
0x46: {  	_ =	shalt  }
0x47: {  	_ =	shalt  }
0x48: {  	_ =	shalt  }
0x49: {  	_ =	shalt  }
0x4a: {  	_ =	shalt  }
0x4b: {  	_ =	shalt  }
0x4c: {  	_ =	shalt  }
0x4d: {  	_ =	shalt  }
0x4e: {  	_ =	shalt  }
0x4f: {  	_ =	shalt  }
0x50: {  	_ =	shalt  }
0x51: {  	_ =	shalt  }
0x52: {  	_ =	shalt  }
0x53: {  	_ =	shalt  }
0x54: {  	_ =	shalt  }
0x55: {  	_ =	shalt  }
0x56: {  	_ =	shalt  }
0x57: {  	_ =	shalt  }
0x58: {  	_ =	shalt  }
0x59: {  	_ =	shalt  }
0x5a: {  	_ =	shalt  }
0x5b: {  	_ =	shalt  }
0x5c: {  	_ =	shalt  }
0x5d: {  	_ =	shalt  }
0x5e: {  	_ =	shalt  }
0x5f: {  	_ =	shalt  }
0x60: {  	_ =	shalt  }
0x61: {  	_ =	shalt  }
0x62: {  	_ =	shalt  }
0x63: {  	_ =	shalt  }
0x64: {  	_ =	shalt  }
0x65: {  	_ =	shalt  }
0x66: {  	_ =	shalt  }
0x67: {  	_ =	shalt  }
0x68: {  	_ =	shalt  }
0x69: {  	_ =	shalt  }
0x6a: {  	_ =	shalt  }
0x6b: {  	_ =	shalt  }
0x6c: {  	_ =	shalt  }
0x6d: {  	_ =	shalt  }
0x6e: {  	_ =	shalt  }
0x6f: {  	_ =	shalt  }
0x70: {  	_ =	shalt  }
0x71: {  	_ =	shalt  }
0x72: {  	_ =	shalt  }
0x73: {  	_ =	shalt  }
0x74: {  	_ =	shalt  }
0x75: {  	_ =	shalt  }
0x76: {  	_ =	shalt  }
0x77: {  	_ =	shalt  }
0x78: {  	_ =	shalt  }
0x79: {  	_ =	shalt  }
0x7a: {  	_ =	shalt  }
0x7b: {  	_ =	shalt  }
0x7c: {  	_ =	shalt  }
0x7d: {  	_ =	shalt  }
0x7e: {  	_ =	shalt  }
0x7f: {  	_ =	shalt  }
0x80: {  	_ =	shalt  }
0x81: {  	_ =	shalt  }
0x82: {  	_ =	shalt  }
0x83: {  	_ =	shalt  }
0x84: {  	_ =	shalt  }
0x85: {  	_ =	shalt  }
0x86: {  	_ =	shalt  }
0x87: {  	_ =	shalt  }
.Lfunc_end0:
.L_simem_size_0:
called_computation_lowered:
.L_overlay_start_0:
0x88: {  	s2 =	sld [smem:$0x3FD9]  }
0x89: {  	s3 =	sld [smem:$0x3FFE];
	_ =	sdelay $0x1  }
0x8a: {  	s1 =	srdreg.scid  }
0x8b: {  	s0 =	sand.u32 $0x1, s1  }
0x8c: {  	s14 =	sshll.u32 s0, $0xA;
	s2 =	sadd.s32 s3, s2  }
0x8d: {  	s2 =	sadd.s32 s2, s14  }
0x8e: {  	[smem:$0x3FC4] =	sst s2  }
0x8f: {  	_ = 	snop  }
0x90: {  	s2 =	sld [smem:$0x3FD0];
	_ =	sdelay $0x2  }
0x91: {  	s15 =	simm.s32 $0xA;
	s4 =	simm.s32 $0x10  }
0x92: {  	[smem:s4], [sflag:s15] =	dma.local [hbm:s2], $0x1  }
0x93: {  	_ =	swait.eq [sflag:s15], $0x1  }
0x94: {  	[sflag:s15] =	ssyncset.done $0x0  }
0x95: {  	s16 =	sld [smem:$0x10];
	[sflag:s15] =	ssyncadd.s32 $0xFFFFFFFF  }
0x96: {  	s17 =	sld [smem:$0x11];
	(tm) =	ssettm $0x1  }
0x97: {  	s18 =	sld [smem:$0x3FFB];
	_ =	sdelay $0x3  }
0x98: {  	_ =	strace s18  }
0x99: {  	s4 =	sld [smem:$0x3FFC];
	_ =	sdelay $0x3  }
0x9a: {  	_ =	strace s4  }
0x9b: {  	s4 =	sld [smem:$0x3FFD];
	_ =	sdelay $0x3  }
0x9c: {  	_ =	strace s4  }
0x9d: {  	_ =	strace $0x8FFFFFFF  }
0x9e: {  	s19 =	sld [smem:$0x3FDB];
	_ =	sdelay $0x1  }
0x9f: {  	s5 =	simm.s32 $_scs_section_size  }
0xa0: {  	s6 =	simm.s32 $_size__tile_overlayer_lowered;
	s7 =	simm.s32 $_tile_overlayer_lowered  }
0xa1: {  	s22 =	simm.s32 $0x1BFF;
	s21 =	sshll.u32 s7, $0x1;
	s4 =	sadd.s32 s5, s19  }
0xa2: {  	s8 =	simm.s32 $0x0;
	s20 =	sshll.u32 s6, $0x1;
	s6 =	sadd.s32 s21, s4  }
0xa3: {  	[timem:s8], [sflag:s22] =	dma.local [hbm:s6], s20  }
0xa4: {  	_ =	swait.ge [sflag:s22], s20  }
0xa5: {  	s5 =	ssub.s32 $0x0, s20;
	[sflag:s22] =	ssyncset.done $0x0  }
0xa6: {  	[sflag:s22] =	ssyncadd.s32 s5;
	_ =	sdelay $0x1  }
0xa7: {  	s23 =	simm.s32 $0x1B8B  }
0xa8: {  	_ =	swait.ge [sflag:s23], $0x1  }
0xa9: {  	[sflag:s23] =	ssyncset.done $0x0  }
0xaa: {  	s25 =	simm.s32 $0x1B8E;
	s24 =	sld [smem:$0x3FFE];
	[sflag:s23] =	ssyncadd.s32 $0xFFFFFFFF  }
0xab: {  	s26 =	simm.s32 $execute0_lowered;
	[smem:$0x3FD2] =	sst s25  }
0xac: {  	s6 =	sshll.u32 s26, $0x1;
	_ =	strace $0x80000046;
	[dreg:$0x1] =	wrdreg $0xFFFFFFFF  }
0xad: {  	s28 =	simm.s32 $_size_execute0_lowered;
	s4 =	sadd.s32 s4, s6;
	[dreg:$0x0] =	wrdreg $0x0  }
0xae: {  	s6 =	sshll.u32 s28, $0x1;
	[dreg:$0x2] =	wrdreg s4  }
0xaf: {  	[dreg:$0x3] =	wrdreg s6  }
0xb0: {  	[dreg:$0x4] =	wrdreg $0xC0  }
0xb1: {  	_ =	task [dreg:s8], $0x5FFFF  }
0xb2: {  	[dreg:$0x1] =	wrdreg $0xFFFFFFFF  }
0xb3: {  	[dreg:$0x0] =	wrdreg $0x60  }
0xb4: {  	[dreg:$0x2] =	wrdreg s17  }
0xb5: {  	[dreg:$0x3] =	wrdreg s24  }
0xb6: {  	[dreg:$0x4] =	wrdreg s16  }
0xb7: {  	[dreg:$0x5] =	wrdreg $0x28800  }
0xb8: {  	[dreg:$0x6] =	wrdreg $0x9  }
0xb9: {  	_ =	task.clear_ibuf [dreg:s8], $0x7FFFF;
	_ =	strace $0x90000046  }
0xba: {  	s29 =	simm.s32 $0x9;
	_ =	strace $0x80000048  }
0xbb: {  	_ =	swait.ge [sflag:s29], $0x1  }
0xbc: {  	[sflag:s29] =	ssyncadd.s32 $0xFFFFFFFF  }
0xbd: {  	_ =	strace $0x90000048  }
0xbe: {  	_ =	sfence  }
0xbf: {  	s30 =	sld [smem:$0x0];
	_ =	sdelay $0x2  }
0xc0: {  	s31 =	sshll.u32 s1, $0xD;
	s1 =	sshrl.u32 s1, $0x2  }
0xc1: {  	s3 =	sand.u32 $0x4000, s31;
	s1 =	sadd.s32 s1, s30  }
0xc2: {  	s0 =	sor.u32 s3, s0;
	s1 =	sshll.u32 s1, $0x11  }
0xc3: {  	s0 =	sor.u32 s1, s0  }
0xc4: {  	s0 =	sadd.s32 $0x8F2B, s0  }
0xc5: {  	[sflag:s0] =	ssyncadd.remote.s32 $0x1  }
0xc6: {  	_ =	sfence.sel $0xFFFF  }
0xc7: {  	[dreg:$0x0] =	wrdreg $0xFFFFFFFF;
	(pc) =	sbr.abs _section_cstart, $3  }
0xc8: {  	[dreg:$0x1] =	wrdreg $0xFFFFFFFF  }
0xc9: {  	_ =	task.clear_ibuf [dreg:s8], $0x2FFFF;
	_ =	strace $0x9FFFFFFF  }
0xca: {  	(tm) =	ssettm $0x7FFFFFFF  }
0xcb: {  	_ =	shalt  }
tec
execute0_lowered:
.L_overlay_start_1:
0x0: {  	(tag) =	ssettag $0x1  }
0x1: {  	s7 =	rddreg [dreg:$0x0]  }
0x2: {  	s4 =	rddreg [dreg:$0x1]  }
0x3: {  	s8 =	rddreg [dreg:$0x2]  }
0x4: {  	s2 =	rddreg [dreg:$0x3]  }
0x5: {  	s0 =	stileid.u32;
	s1 =	rddreg [dreg:$0x4]  }
0x6: {  	s3 =	simm.s32 $0x0;
	s6 =	srdreg.scid;
	s14 =	simm.s32 $0x20  }
0x7: {  	s15 =	simm.s32 $0x10;
	s16 =	simm.s32 $0x0;
	s5 =	smul.u32 $0x1400, s0  }
0x8: {  	[smem:$0x7FF] =	sst s3;
	s6 =	sand.u32 $0x1, s6;
	s29 =	smul.u32 $0x2800, s0  }
0x9: {  	s30 =	sshll.u32 s0, $0x6;
	_ =	strace $0x80000047;
	s10 =	ssub.s32 $0x2, s6  }
0xa: {  	s12 =	sshll.u32 s6, $0x4;
	s6 =	sshll.u32 s6, $0x7;
	s9 =	sshrl.u32 s5, $0x3  }
0xb: {  	s11 =	sshrl.u32 s10, $0x1;
	s28 =	sor.u32 s0, s12;
	s13 =	sadd.s32 s5, s2  }
0xc: {  	s12 =	sor.u32 s6, s29;
	s6 =	sor.u32 $0x1C01, s30;
	s9 =	sadd.s32 s9, s4  }
0xd: {  	s4 =	sadd.s32 $0xB200, s4;
	s10 =	ssub.s32 s10, s11;
	s11 =	smul.u32 $0x500, s28  }
0xe: {  	s31 =	sshrl.u32 s12, $0x3;
	s12 =	simm.s32 $0x2800;
	s5 =	sadd.s32 $0xB400, s9  }
0xf: {  	s8 =	sadd.s32 s8, s31;
	s9 =	smax.u32 s10, $0x1;
	s10 =	sshrl.u32 s13, $0x3  }
0x10: {  	s13 =	simm.s32 $0x80;
	s7 =	sadd.s32 s7, s11;
	s11 =	simm.s32 $0x1  }
.LBB2_1:
0x11: {  	[spmem:s10], [sflag:s6] =	dma.local [hbm:s5], $0x280  }
0x12: {  	_ =	swait.ge [sflag:s11], $0x280  }
0x13: {  	[sflag:s11] =	ssyncset.done $0x0  }
0x14: {  	[sflag:s11] =	ssyncadd.s32 $0xFFFFFD80  }
0x15: {  	[tilespmem:s12], [sflag:$0x1] =	stream.linear.gather [hbm4b:s4+s3], $0x80, $0x38;
	[tilespmem:$0x3C80] =	vst v63  }
0x16: {  	_ =	swait.ge [sflag:s11], $0x80  }
0x17: {  	[sflag:s11] =	ssyncset.done $0x0  }
0x18: {  	[sflag:s11] =	ssyncadd.s32 $0xFFFFFF80  }
0x19: {  	[tilespmem:s3], [sflag:$0x1] =	stream.linear.gather [hbm4b:s7+s3], $0x2800, $0x38;
	[tilespmem:$0x3C80] =	vst v63  }
0x1a: {  	_ =	swait.ge [sflag:s11], $0x2800  }
0x1b: {  	[sflag:s11] =	ssyncset.done $0x0  }
0x1c: {  	[sflag:s11] =	ssyncadd.s32 $0xFFFFD800  }
0x1d: {  	s17 =	simm.s32 $0x0;
	[bflag:$0x0] =	sbarrier.arrive $0xFFFF  }
0x1e: {  	[spmem:s2] =	stream.indirect.scatter.add.f32 [tilespmem:s12], [sflag:$0x1], $0x1, s17, s13, $0xb8;
	[tilespmem:$0x3C80] =	vst v63  }
0x1f: {  	_ =	swait.ge [sflag:s11], $0x80  }
0x20: {  	s17 =	simm.s32 $0x200;
	[sflag:s11] =	ssyncset.done $0x0  }
.LBB2_2:
0x21: {  	s18 =	sshra.s32 s17, $0x2;
	[sflag:s11] =	ssyncadd.s32 $0xFFFFFF80;
	p0 =	sne.s32 s17, $0x9E00  }
0x22: {  	[spmem:s2] =	stream.indirect.scatter.add.f32 [tilespmem:s12], [sflag:$0x1], $0x1, s18, s13, $0xb8;
	[tilespmem:$0x3C80] =	vst v63  }
.Ltmp0:
0x23: {  	_ = 	snop;
	(pc) =	sbr.rel @p0 .LBB2_2-.Ltmp0, $4  }
0x24: {  	_ = 	snop  }
0x25: {  	s17 =	sadd.s32 $0x200, s17  }
0x26: {  	_ =	swait.ge [sflag:s11], $0x80  }
0x27: {  	[sflag:s11] =	ssyncset.done $0x0  }
0x28: {  	s16 =	sadd.s32 $0x1, s16  }
0x29: {  	[sflag:s11] =	ssyncadd.s32 $0xFFFFFF80;
	p0 =	sne.s32 s16, s9  }
.Ltmp1:
0x2a: {  	[bflag:$0x0] =	sbarrier.arrive $0xFFFF;
	(pc) =	sbr.rel @p0 .LBB2_1-.Ltmp1, $4  }
0x2b: {  	[hbm:s8@s14], [sflag:s6] =	dma.strided [spmem:s10@s15], $0x280, s11, $0x10   }
0x2c: {  	_ =	swait.ge [sflag:s11], $0x280  }
0x2d: {  	[sflag:s11] =	ssyncset.done $0x0  }
0x2e: {  	[sflag:s11] =	ssyncadd.s32 $0xFFFFFD80  }
0x2f: {  	_ =	sfence.sel $0x180000  }
0x30: {  	[bflag:$0x0] =	sbarrier.arrive $0xFFFF  }
0x31: {  	p0 =	sne.s32 s0, $0x0;
	_ =	strace $0x90000047  }
0x32: {  	s0 =	sadd.s32 @!p0 $0x100000, s1;
	[bflag:$0x2] =	sbarrier.arrive $0xFFFF  }
0x33: {  	[sflag:s0] =	ssyncadd.tile.s32 @!p0 $0x1;
	_ =	shalt  }
.Lfunc_end2:
_tile_overlayer_lowered:
.L_overlay_start_2:
0x34: {  	(tag) =	ssettag $0x2  }
0x35: {  	s0 =	rddreg [dreg:$0x0];
	s2 =	stileid.u32  }
0x36: {  	s1 =	rddreg [dreg:$0x1];
	p0 =	sne.s32 s2, $0x0  }
0x37: {  	s3 =	rddreg [dreg:$0x2];
	[bflag:$0x3] =	sbarrier.arrive $0xFFFF;
	s2 =	simm.s32 @!p0 $0x1C01  }
0x38: {  	[timem:s3], [sflag:s2] =	dma.local @!p0 [hbm:s0], s1  }
0x39: {  	s0 =	simm.s32 @!p0 $0x1  }
0x3a: {  	_ =	swait.ge @!p0 [sflag:s0], s1  }
0x3b: {  	s1 =	ssub.s32 @!p0 $0x0, s1;
	[sflag:s0] =	ssyncset.done @!p0 $0x0  }
0x3c: {  	[sflag:s0] =	ssyncadd.s32 @!p0 s1  }
0x3d: {  	[bflag:$0x3] =	sbarrier.arrive $0xFFFF  }
0x3e: {  	_ =	shalt  }

// kernel: kernel.9.cloned.1.call-start
scs
__scs_entry_jumppad:
0x0: {  	(pc) =	sbr.rel $0x88, $3  }
0x1: {  	(tag) =	ssettag $0x0;
	lr =	simm.s32 $0x1  }
0x2: {  	[smem:$0x3F9D] =	sst lr;
	_ =	strace $0xD0000000  }
0x3: {  	_ = 	snop  }
0x4: {  	_ = 	snop  }
0x5: {  	_ = 	snop  }
0x6: {  	_ = 	snop  }
0x7: {  	_ = 	snop  }
__scs_overlays_trampoline_lowered:
0x8: {  	[smem:$0x3FAC] =	sst s0  }
0x9: {  	[smem:$0x3FAD] =	sst s1  }
0xa: {  	[smem:$0x3FAE] =	sst s2  }
0xb: {  	[smem:$0x3FAF] =	sst s3  }
0xc: {  	[smem:$0x3FB0] =	sst s4  }
0xd: {  	[smem:$0x3FB1] =	sst s5  }
0xe: {  	[smem:$0x3FB2] =	sst s6  }
0xf: {  	[smem:$0x3FB3] =	sst s7  }
0x10: {  	[smem:$0x3FB4] =	sst s8  }
0x11: {  	[smem:$0x3FB5] =	sst s9;
	s0 =	simm.s32 @!p0 $0x0  }
0x12: {  	s1 =	sld [smem:$0x3F9B];
	s0 =	simm.s32 @p0 $0x1  }
0x13: {  	[smem:$0x3FB6] =	sst s0;
	s0 =	simm.s32 @!p1 $0x0  }
0x14: {  	s2 =	sld [smem:$0x3F9A];
	s0 =	simm.s32 @p1 $0x1  }
0x15: {  	[smem:$0x3FB7] =	sst s0;
	s0 =	simm.s32 @!p2 $0x0  }
0x16: {  	s3 =	sld [smem:$0x3FDB];
	s0 =	simm.s32 @p2 $0x1  }
0x17: {  	s4 =	simm.s32 $0x1BF5;
	[smem:$0x3FB9] =	sst s0  }
0x18: {  	s0 =	sld [smem:$0x3F9C];
	_ =	swait.ge [sflag:s4], $0x0  }
0x19: {  	s7 =	sld [smem:$0x3F9D]  }
0x1a: {  	s8 =	sadd.s32 $0xFFFFE003, lr  }
0x1b: {  	s9 =	sadd.s32 $0xFFFFFEF7, lr;
	s5 =	simm.s32 $0xFFFFFFFF;
	p2 =	slt.u32 s8, $0xFFFFF086  }
0x1c: {  	p1 =	slt.u32 s9, $0xF7A;
	s5 =	simm.s32 @!p2 $0x0  }
0x1d: {  	s5 =	simm.s32 @p1 $0x1;
	p0 =	seq.s32 s7, s2  }
0x1e: {  	s7 =	smul.u32 @!p0 $0xF7A, s2;
	p2 =	seq.s32 @!p0 s5, $0x0  }
0x1f: {  	s9 =	smul.u32 $0xF7A, s1;
	s8 =	simm.s32 @!p0 $0x1BF5;
	p2 =	por !p2, p0  }
0x20: {  	[sflag:s8] =	ssyncset.s32 @!p0 $0xFFFFF086;
	s6 =	sadd.s32 @!p0 s3, s7;
	s7 =	simm.s32 @!p0 $0x108  }
0x21: {  	s3 =	sadd.s32 s3, s9;
	s6 =	sadd.s32 @!p0 $0x88, s6;
	s7 =	simm.s32 @p2 $0x1082  }
0x22: {  	[simem:s7], [sflag:s8] =	dma.local @!p0 [hbm:s6], $0xF7A  }
0x23: {  	s9 =	sor.u32 $0xD0000000, s2;
	s6 =	simm.s32 $0x108;
	_ =	swait.ge @!p0 [sflag:s8], $0x0  }
0x24: {  	s3 =	sadd.s32 $0x88, s3;
	s6 =	simm.s32 @!p1 $0x1082;
	[sflag:s4] =	ssyncset.s32 $0xFFFFF086  }
0x25: {  	[simem:s6], [sflag:s4] =	dma.local [hbm:s3], $0xF7A  }
0x26: {  	[smem:$0x3F9D] =	sst s1;
	(tag) =	ssettag s2;
	_ =	strace s9  }
0x27: {  	s1 =	sld [smem:$0x3FAD]  }
0x28: {  	s2 =	sld [smem:$0x3FAE]  }
0x29: {  	s4 =	sld [smem:$0x3FB0]  }
0x2a: {  	p0 =	seq.s32 s5, $0x0;
	s5 =	sld [smem:$0x3FB1]  }
0x2b: {  	s6 =	sld [smem:$0x3FB2]  }
0x2c: {  	s7 =	sld [smem:$0x3FB3]  }
0x2d: {  	s3 =	simm.s32 $0x108;
	s8 =	sld [smem:$0x3FB4]  }
0x2e: {  	s3 =	simm.s32 @!p0 $0x1082;
	s9 =	sld [smem:$0x3FB5]  }
0x2f: {  	lr =	sadd.s32 s0, s3;
	s0 =	sld [smem:$0x3FAC]  }
0x30: {  	s3 =	sld [smem:$0x3FAF]  }
0x31: {  	[smem:$0x3FB8] =	sst s10  }
0x32: {  	s10 =	sld [smem:$0x3FB6];
	_ =	sdelay $0x3  }
0x33: {  	p0 =	seq.s32 s10, $0x1;
	s10 =	sld [smem:$0x3FB8];
	_ =	sdelay $0x3  }
0x34: {  	[smem:$0x3FB8] =	sst s10  }
0x35: {  	s10 =	sld [smem:$0x3FB7];
	_ =	sdelay $0x3  }
0x36: {  	p1 =	seq.s32 s10, $0x1;
	s10 =	sld [smem:$0x3FB8];
	_ =	sdelay $0x3  }
0x37: {  	[smem:$0x3FB8] =	sst s10  }
0x38: {  	s10 =	sld [smem:$0x3FB9]  }
0x39: {  	_ = 	snop;
	(pc) =	sbr.ind lr, $3  }
0x3a: {  	_ = 	snop  }
0x3b: {  	_ = 	snop  }
0x3c: {  	p2 =	seq.s32 s10, $0x1;
	s10 =	sld [smem:$0x3FB8]  }
0x3d: {  	_ =	shalt  }
0x3e: {  	_ =	shalt  }
0x3f: {  	_ =	shalt  }
0x40: {  	_ =	shalt  }
0x41: {  	_ =	shalt  }
0x42: {  	_ =	shalt  }
0x43: {  	_ =	shalt  }
0x44: {  	_ =	shalt  }
0x45: {  	_ =	shalt  }
0x46: {  	_ =	shalt  }
0x47: {  	_ =	shalt  }
0x48: {  	_ =	shalt  }
0x49: {  	_ =	shalt  }
0x4a: {  	_ =	shalt  }
0x4b: {  	_ =	shalt  }
0x4c: {  	_ =	shalt  }
0x4d: {  	_ =	shalt  }
0x4e: {  	_ =	shalt  }
0x4f: {  	_ =	shalt  }
0x50: {  	_ =	shalt  }
0x51: {  	_ =	shalt  }
0x52: {  	_ =	shalt  }
0x53: {  	_ =	shalt  }
0x54: {  	_ =	shalt  }
0x55: {  	_ =	shalt  }
0x56: {  	_ =	shalt  }
0x57: {  	_ =	shalt  }
0x58: {  	_ =	shalt  }
0x59: {  	_ =	shalt  }
0x5a: {  	_ =	shalt  }
0x5b: {  	_ =	shalt  }
0x5c: {  	_ =	shalt  }
0x5d: {  	_ =	shalt  }
0x5e: {  	_ =	shalt  }
0x5f: {  	_ =	shalt  }
0x60: {  	_ =	shalt  }
0x61: {  	_ =	shalt  }
0x62: {  	_ =	shalt  }
0x63: {  	_ =	shalt  }
0x64: {  	_ =	shalt  }
0x65: {  	_ =	shalt  }
0x66: {  	_ =	shalt  }
0x67: {  	_ =	shalt  }
0x68: {  	_ =	shalt  }
0x69: {  	_ =	shalt  }
0x6a: {  	_ =	shalt  }
0x6b: {  	_ =	shalt  }
0x6c: {  	_ =	shalt  }
0x6d: {  	_ =	shalt  }
0x6e: {  	_ =	shalt  }
0x6f: {  	_ =	shalt  }
0x70: {  	_ =	shalt  }
0x71: {  	_ =	shalt  }
0x72: {  	_ =	shalt  }
0x73: {  	_ =	shalt  }
0x74: {  	_ =	shalt  }
0x75: {  	_ =	shalt  }
0x76: {  	_ =	shalt  }
0x77: {  	_ =	shalt  }
0x78: {  	_ =	shalt  }
0x79: {  	_ =	shalt  }
0x7a: {  	_ =	shalt  }
0x7b: {  	_ =	shalt  }
0x7c: {  	_ =	shalt  }
0x7d: {  	_ =	shalt  }
0x7e: {  	_ =	shalt  }
0x7f: {  	_ =	shalt  }
0x80: {  	_ =	shalt  }
0x81: {  	_ =	shalt  }
0x82: {  	_ =	shalt  }
0x83: {  	_ =	shalt  }
0x84: {  	_ =	shalt  }
0x85: {  	_ =	shalt  }
0x86: {  	_ =	shalt  }
0x87: {  	_ =	shalt  }
.Lfunc_end0:
.L_simem_size_0:
called_computation.1_lowered:
.L_overlay_start_0:
0x88: {  	s2 =	sld [smem:$0x3FD9]  }
0x89: {  	s3 =	sld [smem:$0x3FFE];
	_ =	sdelay $0x1  }
0x8a: {  	s1 =	srdreg.scid  }
0x8b: {  	s0 =	sand.u32 $0x1, s1  }
0x8c: {  	s14 =	sshll.u32 s0, $0xA;
	s2 =	sadd.s32 s3, s2  }
0x8d: {  	s2 =	sadd.s32 s2, s14  }
0x8e: {  	[smem:$0x3FC4] =	sst s2  }
0x8f: {  	_ = 	snop  }
0x90: {  	s2 =	sld [smem:$0x3FD0];
	_ =	sdelay $0x2  }
0x91: {  	s15 =	simm.s32 $0xA;
	s4 =	simm.s32 $0x10  }
0x92: {  	[smem:s4], [sflag:s15] =	dma.local [hbm:s2], $0x1  }
0x93: {  	_ =	swait.eq [sflag:s15], $0x1  }
0x94: {  	[sflag:s15] =	ssyncset.done $0x0  }
0x95: {  	s16 =	sld [smem:$0x10];
	[sflag:s15] =	ssyncadd.s32 $0xFFFFFFFF  }
0x96: {  	s17 =	sld [smem:$0x11];
	(tm) =	ssettm $0x1  }
0x97: {  	s18 =	sld [smem:$0x3FFB];
	_ =	sdelay $0x3  }
0x98: {  	_ =	strace s18  }
0x99: {  	s4 =	sld [smem:$0x3FFC];
	_ =	sdelay $0x3  }
0x9a: {  	_ =	strace s4  }
0x9b: {  	s4 =	sld [smem:$0x3FFD];
	_ =	sdelay $0x3  }
0x9c: {  	_ =	strace s4  }
0x9d: {  	_ =	strace $0x8FFFFFFF  }
0x9e: {  	s19 =	sld [smem:$0x3FDB];
	_ =	sdelay $0x1  }
0x9f: {  	s5 =	simm.s32 $_scs_section_size  }
0xa0: {  	s6 =	simm.s32 $_size__tile_overlayer_lowered;
	s7 =	simm.s32 $_tile_overlayer_lowered  }
0xa1: {  	s22 =	simm.s32 $0x1BFF;
	s21 =	sshll.u32 s7, $0x1;
	s4 =	sadd.s32 s5, s19  }
0xa2: {  	s8 =	simm.s32 $0x0;
	s20 =	sshll.u32 s6, $0x1;
	s6 =	sadd.s32 s21, s4  }
0xa3: {  	[timem:s8], [sflag:s22] =	dma.local [hbm:s6], s20  }
0xa4: {  	_ =	swait.ge [sflag:s22], s20  }
0xa5: {  	s5 =	ssub.s32 $0x0, s20;
	[sflag:s22] =	ssyncset.done $0x0  }
0xa6: {  	[sflag:s22] =	ssyncadd.s32 s5;
	_ =	sdelay $0x1  }
0xa7: {  	s23 =	simm.s32 $0x1B8B  }
0xa8: {  	_ =	swait.ge [sflag:s23], $0x1  }
0xa9: {  	[sflag:s23] =	ssyncset.done $0x0  }
0xaa: {  	s25 =	simm.s32 $0x1B8E;
	s24 =	sld [smem:$0x3FFE];
	[sflag:s23] =	ssyncadd.s32 $0xFFFFFFFF  }
0xab: {  	s26 =	simm.s32 $execute0_lowered;
	[smem:$0x3FD2] =	sst s25  }
0xac: {  	s6 =	sshll.u32 s26, $0x1;
	_ =	strace $0x80000049;
	[dreg:$0x1] =	wrdreg $0xFFFFFFFF  }
0xad: {  	s28 =	simm.s32 $_size_execute0_lowered;
	s4 =	sadd.s32 s4, s6;
	[dreg:$0x0] =	wrdreg $0x0  }
0xae: {  	s6 =	sshll.u32 s28, $0x1;
	[dreg:$0x2] =	wrdreg s4  }
0xaf: {  	[dreg:$0x3] =	wrdreg s6  }
0xb0: {  	[dreg:$0x4] =	wrdreg $0xC0  }
0xb1: {  	_ =	task [dreg:s8], $0x5FFFF  }
0xb2: {  	[dreg:$0x1] =	wrdreg $0xFFFFFFFF  }
0xb3: {  	[dreg:$0x0] =	wrdreg $0x60  }
0xb4: {  	[dreg:$0x2] =	wrdreg s16  }
0xb5: {  	[dreg:$0x3] =	wrdreg s24  }
0xb6: {  	[dreg:$0x4] =	wrdreg s17  }
0xb7: {  	[dreg:$0x5] =	wrdreg $0x28000  }
0xb8: {  	[dreg:$0x6] =	wrdreg $0x9  }
0xb9: {  	_ =	task.clear_ibuf [dreg:s8], $0x7FFFF;
	_ =	strace $0x90000049  }
0xba: {  	s29 =	simm.s32 $0x9;
	_ =	strace $0x8000004B  }
0xbb: {  	_ =	swait.ge [sflag:s29], $0x1  }
0xbc: {  	[sflag:s29] =	ssyncadd.s32 $0xFFFFFFFF  }
0xbd: {  	_ =	strace $0x9000004B  }
0xbe: {  	_ =	sfence  }
0xbf: {  	s30 =	sld [smem:$0x0];
	_ =	sdelay $0x2  }
0xc0: {  	s31 =	sshll.u32 s1, $0xD;
	s1 =	sshrl.u32 s1, $0x2  }
0xc1: {  	s3 =	sand.u32 $0x4000, s31;
	s1 =	sadd.s32 s1, s30  }
0xc2: {  	s0 =	sor.u32 s3, s0;
	s1 =	sshll.u32 s1, $0x11  }
0xc3: {  	s0 =	sor.u32 s1, s0  }
0xc4: {  	s0 =	sadd.s32 $0x8F2B, s0  }
0xc5: {  	[sflag:s0] =	ssyncadd.remote.s32 $0x1  }
0xc6: {  	_ =	sfence.sel $0xFFFF  }
0xc7: {  	[dreg:$0x0] =	wrdreg $0xFFFFFFFF;
	(pc) =	sbr.abs _section_cstart, $3  }
0xc8: {  	[dreg:$0x1] =	wrdreg $0xFFFFFFFF  }
0xc9: {  	_ =	task.clear_ibuf [dreg:s8], $0x2FFFF;
	_ =	strace $0x9FFFFFFF  }
0xca: {  	(tm) =	ssettm $0x7FFFFFFF  }
0xcb: {  	_ =	shalt  }
tec
execute0_lowered:
.L_overlay_start_1:
0x0: {  	(tag) =	ssettag $0x1  }
0x1: {  	s1 =	rddreg [dreg:$0x0]  }
0x2: {  	s7 =	rddreg [dreg:$0x1]  }
0x3: {  	s8 =	rddreg [dreg:$0x2]  }
0x4: {  	s2 =	rddreg [dreg:$0x3]  }
0x5: {  	s0 =	rddreg [dreg:$0x4];
	s4 =	simm.s32 $0x0;
	s6 =	srdreg.scid  }
0x6: {  	s3 =	stileid.u32;
	s15 =	simm.s32 $0x80;
	s16 =	simm.s32 $0x16800  }
0x7: {  	s17 =	simm.s32 $0x1A800;
	s18 =	simm.s32 $0x1;
	s19 =	simm.s32 $0x3  }
0x8: {  	s20 =	simm.s32 $0x100;
	s21 =	simm.s32 $0x2;
	s22 =	simm.s32 $0x1480  }
0x9: {  	s23 =	simm.s32 $0x4;
	s24 =	simm.s32 $0x1380;
	s28 =	simm.s32 $0x0  }
0xa: {  	[smem:$0x7FF] =	sst s4;
	s5 =	sadd.s32 $0xDC00, s7;
	s9 =	sand.u32 $0x1, s6  }
0xb: {  	s10 =	smul.u32 $0x14000, s3;
	s6 =	sadd.s32 $0x1200, s7;
	s13 =	sadd.s32 $0x17C00, s7  }
0xc: {  	s31 =	sshll.u32 s3, $0x6;
	_ =	strace $0x8000004A;
	s11 =	ssub.s32 $0x2, s9  }
0xd: {  	s12 =	smul.u32 $0x140000, s9;
	s14 =	sshll.u32 s9, $0x4;
	p0 =	seq.s32 s9, $0x0  }
0xe: {  	s25 =	sshrl.u32 s11, $0x1;
	s26 =	sor.u32 s3, s14;
	s29 =	sadd.s32 s10, s2  }
0xf: {  	s13 =	smov.u32 @p0 s1;
	s14 =	simm.s32 $0x1400;
	s11 =	ssub.s32 s11, s25  }
0x10: {  	s12 =	sadd.s32 s10, s12;
	s10 =	sshrl.u32 s10, $0x3;
	s7 =	smul.u32 $0x2800, s26  }
0x11: {  	s25 =	simm.s32 $0x2700;
	s26 =	simm.s32 $0x2780;
	s30 =	sshrl.u32 s12, $0x3  }
0x12: {  	s9 =	smax.u32 s11, $0x1;
	s10 =	sadd.s32 s13, s10;
	s11 =	sor.u32 $0x1C05, s31  }
0x13: {  	s12 =	sshrl.u32 s29, $0x3;
	s13 =	simm.s32 $0x5;
	s8 =	sadd.s32 s8, s30  }
.LBB2_1:
0x14: {  	[spmem:s12], [sflag:s11] =	dma.local [hbm:s10], $0x2800  }
0x15: {  	_ =	swait.ge [sflag:s13], $0x2800  }
0x16: {  	[sflag:s13] =	ssyncset.done $0x0  }
0x17: {  	[sflag:s13] =	ssyncadd.s32 $0xFFFFD800  }
0x18: {  	p1 =	por $0x1, $0x1;
	s29 =	simm.s32 $0x0;
	[bflag:$0x0] =	sbarrier.arrive $0xFFFF  }
.LBB2_2:
0x19: {  	s29 =	sadd.s32 s7, s29  }
0x1a: {  	s29 =	sshrl.u32 s29, $0x3  }
0x1b: {  	s30 =	sadd.s32 s5, s29  }
0x1c: {  	[tilespmem:s4], [sflag:$0x5] =	stream.linear.gather [hbm4b:s30+s4], $0x1400, $0x38;
	[tilespmem:$0x1E800] =	vst v63  }
0x1d: {  	_ =	swait.ge [sflag:s13], $0x1400  }
0x1e: {  	[sflag:s13] =	ssyncset.done $0x0  }
0x1f: {  	s29 =	sadd.s32 s6, s29;
	[sflag:s13] =	ssyncadd.s32 $0xFFFFEC00  }
0x20: {  	[tilespmem:s14], [sflag:$0x5] =	stream.linear.gather [hbm4b:s29+s4], $0x1400, $0x38;
	[tilespmem:$0x1E800] =	vst v63  }
0x21: {  	_ =	swait.ge [sflag:s13], $0x1400  }
0x22: {  	[sflag:s13] =	ssyncset.done $0x0  }
0x23: {  	[sflag:s13] =	ssyncadd.s32 $0xFFFFEC00  }
0x24: {  	[tilespmem:s16], [sflag:$0x1] =	stream.indirect.gather [hbm4b:s1+s15], $0x80, s4, s15, $0xb8;
	[tilespmem:$0x1E800] =	vst v63  }
0x25: {  	_ = 	snop  }
0x26: {  	[tilespmem:s17], [sflag:$0x2] =	stream.indirect.gather [hbm4b:s1+s15], $0x80, s15, s15, $0xb8;
	[tilespmem:$0x1E800] =	vst v63  }
0x27: {  	_ =	swait.ge [sflag:s18], $0x4000  }
0x28: {  	[sflag:s18] =	ssyncset.done $0x0  }
0x29: {  	[sflag:s18] =	ssyncadd.s32 $0xFFFFC000  }
0x2a: {  	[spmem:s2] =	stream.indirect.scatter.add.f32 [tilespmem:s16], [sflag:$0x3], $0x80, s14, s15, $0xb8;
	[tilespmem:$0x1E800] =	vst v63  }
0x2b: {  	_ =	swait.ge [sflag:s19], $0x4000  }
0x2c: {  	[sflag:s19] =	ssyncset.done $0x0  }
0x2d: {  	[sflag:s19] =	ssyncadd.s32 $0xFFFFC000  }
0x2e: {  	[tilespmem:s16], [sflag:$0x1] =	stream.indirect.gather [hbm4b:s1+s15], $0x80, s20, s15, $0xb8;
	[tilespmem:$0x1E800] =	vst v63  }
0x2f: {  	_ =	swait.ge [sflag:s21], $0x4000  }
0x30: {  	[sflag:s21] =	ssyncset.done $0x0  }
0x31: {  	[sflag:s21] =	ssyncadd.s32 $0xFFFFC000  }
0x32: {  	[spmem:s2] =	stream.indirect.scatter.add.f32 [tilespmem:s17], [sflag:$0x4], $0x80, s22, s15, $0xb8;
	[tilespmem:$0x1E800] =	vst v63  }
0x33: {  	_ =	swait.ge [sflag:s23], $0x4000  }
0x34: {  	[sflag:s23] =	ssyncset.done $0x0  }
0x35: {  	s29 =	simm.s32 $0x180;
	[sflag:s23] =	ssyncadd.s32 $0xFFFFC000  }
0x36: {  	[tilespmem:s17], [sflag:$0x2] =	stream.indirect.gather [hbm4b:s1+s15], $0x80, s29, s15, $0xb8;
	[tilespmem:$0x1E800] =	vst v63  }
0x37: {  	_ =	swait.ge [sflag:s18], $0x4000  }
0x38: {  	[sflag:s18] =	ssyncset.done $0x0  }
0x39: {  	s29 =	simm.s32 $0x1500;
	[sflag:s18] =	ssyncadd.s32 $0xFFFFC000  }
0x3a: {  	[spmem:s2] =	stream.indirect.scatter.add.f32 [tilespmem:s16], [sflag:$0x3], $0x80, s29, s15, $0xb8;
	[tilespmem:$0x1E800] =	vst v63  }
0x3b: {  	_ =	swait.ge [sflag:s19], $0x4000  }
0x3c: {  	[sflag:s19] =	ssyncset.done $0x0  }
0x3d: {  	s29 =	simm.s32 $0x200;
	[sflag:s19] =	ssyncadd.s32 $0xFFFFC000  }
0x3e: {  	[tilespmem:s16], [sflag:$0x1] =	stream.indirect.gather [hbm4b:s1+s15], $0x80, s29, s15, $0xb8;
	[tilespmem:$0x1E800] =	vst v63  }
0x3f: {  	_ =	swait.ge [sflag:s21], $0x4000  }
0x40: {  	p0 =	por p1, p1;
	[sflag:s21] =	ssyncset.done $0x0  }
0x41: {  	s30 =	simm.s32 $0x1580;
	s29 =	simm.s32 $0xFFFFBC00;
	[sflag:s21] =	ssyncadd.s32 $0xFFFFC000  }
.LBB2_3:
0x42: {  	[spmem:s2] =	stream.indirect.scatter.add.f32 [tilespmem:s17], [sflag:$0x4], $0x80, s30, s15, $0xb8;
	[tilespmem:$0x1E800] =	vst v63  }
0x43: {  	s30 =	smov.u32 s29  }
0x44: {  	p1 =	sne.s32 s29, $0xFFFFFC00;
	s29 =	sadd.s32 $0x400, s29;
	_ =	swait.ge [sflag:s23], $0x4000  }
0x45: {  	s30 =	sshra.s32 s30, $0x2;
	[sflag:s23] =	ssyncset.done $0x0  }
0x46: {  	s31 =	sadd.s32 $0x1380, s30;
	[sflag:s23] =	ssyncadd.s32 $0xFFFFC000  }
0x47: {  	[tilespmem:s17], [sflag:$0x2] =	stream.indirect.gather [hbm4b:s1+s15], $0x80, s31, s15, $0xb8;
	[tilespmem:$0x1E800] =	vst v63  }
0x48: {  	_ =	swait.ge [sflag:s18], $0x4000  }
0x49: {  	[sflag:s18] =	ssyncset.done $0x0  }
0x4a: {  	s31 =	sadd.s32 $0x2700, s30;
	[sflag:s18] =	ssyncadd.s32 $0xFFFFC000  }
0x4b: {  	[spmem:s2] =	stream.indirect.scatter.add.f32 [tilespmem:s16], [sflag:$0x3], $0x80, s31, s15, $0xb8;
	[tilespmem:$0x1E800] =	vst v63  }
0x4c: {  	_ =	swait.ge [sflag:s19], $0x4000  }
0x4d: {  	[sflag:s19] =	ssyncset.done $0x0  }
.Ltmp0:
0x4e: {  	s31 =	sadd.s32 $0x1400, s30;
	[sflag:s19] =	ssyncadd.s32 $0xFFFFC000;
	(pc) =	sbr.rel @p1 .LBB2_3-.Ltmp0, $4  }
0x4f: {  	[tilespmem:s16], [sflag:$0x1] =	stream.indirect.gather [hbm4b:s1+s15], $0x80, s31, s15, $0xb8;
	[tilespmem:$0x1E800] =	vst v63  }
0x50: {  	_ =	swait.ge [sflag:s21], $0x4000  }
0x51: {  	[sflag:s21] =	ssyncset.done $0x0  }
0x52: {  	s30 =	sadd.s32 $0x2780, s30;
	[sflag:s21] =	ssyncadd.s32 $0xFFFFC000  }
0x53: {  	[spmem:s2] =	stream.indirect.scatter.add.f32 [tilespmem:s17], [sflag:$0x4], $0x80, s30, s15, $0xb8;
	[tilespmem:$0x1E800] =	vst v63  }
0x54: {  	_ =	swait.ge [sflag:s23], $0x4000  }
0x55: {  	[sflag:s23] =	ssyncset.done $0x0  }
0x56: {  	[sflag:s23] =	ssyncadd.s32 $0xFFFFC000  }
0x57: {  	[tilespmem:s17], [sflag:$0x2] =	stream.indirect.gather [hbm4b:s1+s15], $0x80, s24, s15, $0xb8;
	[tilespmem:$0x1E800] =	vst v63  }
0x58: {  	_ =	swait.ge [sflag:s18], $0x4000  }
0x59: {  	[sflag:s18] =	ssyncset.done $0x0  }
0x5a: {  	[sflag:s18] =	ssyncadd.s32 $0xFFFFC000  }
0x5b: {  	[spmem:s2] =	stream.indirect.scatter.add.f32 [tilespmem:s16], [sflag:$0x3], $0x80, s25, s15, $0xb8;
	[tilespmem:$0x1E800] =	vst v63  }
0x5c: {  	_ =	swait.ge [sflag:s19], $0x4000  }
0x5d: {  	[sflag:s19] =	ssyncset.done $0x0  }
0x5e: {  	[sflag:s19] =	ssyncadd.s32 $0xFFFFC000  }
0x5f: {  	_ =	swait.ge [sflag:s21], $0x4000  }
0x60: {  	[sflag:s21] =	ssyncset.done $0x0  }
.Ltmp1:
0x61: {  	[sflag:s21] =	ssyncadd.s32 $0xFFFFC000;
	(pc) =	sbr.rel @p0 .LBB2_2-.Ltmp1, $4  }
0x62: {  	[spmem:s2] =	stream.indirect.scatter.add.f32 [tilespmem:s17], [sflag:$0x4], $0x80, s26, s15, $0xb8;
	[tilespmem:$0x1E800] =	vst v63  }
0x63: {  	_ =	swait.ge [sflag:s23], $0x4000  }
0x64: {  	[sflag:s23] =	ssyncset.done $0x0  }
0x65: {  	s29 =	simm.s32 $0x1400;
	p1 =	por $0x0, $0x0;
	[sflag:s23] =	ssyncadd.s32 $0xFFFFC000  }
0x66: {  	s28 =	sadd.s32 $0x1, s28  }
0x67: {  	p0 =	sne.s32 s28, s9  }
.Ltmp2:
0x68: {  	[bflag:$0x0] =	sbarrier.arrive $0xFFFF;
	(pc) =	sbr.rel @p0 .LBB2_1-.Ltmp2, $4  }
0x69: {  	[hbm:s8], [sflag:s11] =	dma.local [spmem:s12], $0x2800  }
0x6a: {  	_ =	swait.ge [sflag:s13], $0x2800  }
0x6b: {  	[sflag:s13] =	ssyncset.done $0x0  }
0x6c: {  	[sflag:s13] =	ssyncadd.s32 $0xFFFFD800  }
0x6d: {  	_ =	sfence.sel $0x180000  }
0x6e: {  	[bflag:$0x0] =	sbarrier.arrive $0xFFFF  }
0x6f: {  	p0 =	sne.s32 s3, $0x0;
	_ =	strace $0x9000004A  }
0x70: {  	s0 =	sadd.s32 @!p0 $0x100000, s0;
	[bflag:$0x2] =	sbarrier.arrive $0xFFFF  }
0x71: {  	[sflag:s0] =	ssyncadd.tile.s32 @!p0 $0x1;
	_ =	shalt  }
.Lfunc_end2:
_tile_overlayer_lowered:
.L_overlay_start_2:
0x72: {  	(tag) =	ssettag $0x2  }
0x73: {  	s0 =	rddreg [dreg:$0x0];
	s2 =	stileid.u32  }
0x74: {  	s1 =	rddreg [dreg:$0x1];
	p0 =	sne.s32 s2, $0x0  }
0x75: {  	s3 =	rddreg [dreg:$0x2];
	[bflag:$0x3] =	sbarrier.arrive $0xFFFF;
	s2 =	simm.s32 @!p0 $0x1C05  }
0x76: {  	[timem:s3], [sflag:s2] =	dma.local @!p0 [hbm:s0], s1  }
0x77: {  	s0 =	simm.s32 @!p0 $0x5  }
0x78: {  	_ =	swait.ge @!p0 [sflag:s0], s1  }
0x79: {  	s1 =	ssub.s32 @!p0 $0x0, s1;
	[sflag:s0] =	ssyncset.done @!p0 $0x0  }
0x7a: {  	[sflag:s0] =	ssyncadd.s32 @!p0 s1  }
0x7b: {  	[bflag:$0x3] =	sbarrier.arrive $0xFFFF  }
0x7c: {  	_ =	shalt  }

</sc_bundles>
